<compile_context>
chip_gen: v7x
topology: tpu7x:2x2x1
jax: 0.10.2.dev20260603
libtpu: 0.0.44.dev20260713+nightly
codegen_flags: <defaults>
</compile_context>

<pallas_src>
import jax
import jax.numpy as jnp
from jax import lax
from jax.experimental import pallas as pl
from jax.experimental.pallas import tpu as pltpu
from jax.experimental.pallas import tpu_sc as plsc

NC = 2
NS = 16
C = 128


def _seg_sum_split(table, srcs, dsts, acc_rows):
  _, dh = table.shape
  _, _, kc, _ = srcs.shape
  assert kc % 2 == 0
  tot = 2 * acc_rows
  rpw = tot // NS
  ZC = 128
  zch = rpw // ZC

  mesh = plsc.VectorSubcoreMesh(core_axis_name="c", subcore_axis_name="s")

  def body(tbl_hbm, src_hbm, dst_hbm, zero_hbm, out_hbm,
           src_v, dst_v, bufs, zrows_v, acc, gsems, ssems):
    c = lax.axis_index("c")
    s = lax.axis_index("s")

    pltpu.sync_copy(zero_hbm, zrows_v)
    for z in range(zch):
      pltpu.sync_copy(zrows_v, acc.at[pl.ds((s * zch + z) * ZC, ZC)])
    plsc.subcore_barrier()

    pltpu.sync_copy(src_hbm.at[c, s], src_v)
    pltpu.sync_copy(dst_hbm.at[s], dst_v)

    def gather(j, b):
      pltpu.async_copy(tbl_hbm.at[src_v.at[j]], bufs[b], gsems[b])

    def gather_wait(j, b):
      pltpu.make_async_copy(tbl_hbm.at[src_v.at[j]], bufs[b], gsems[b]).wait()

    def scatter(j, b):
      pltpu.async_copy(bufs[b], acc.at[dst_v.at[j]], ssems[b], add=True)

    def scatter_wait(j, b):
      pltpu.make_async_copy(bufs[b], acc.at[dst_v.at[j]], ssems[b]).wait()

    gather(0, 0)

    def pair(i, carry):
      j = 2 * i
      @pl.when(i > 0)
      def _():
        scatter_wait(j - 1, 1)
      gather(j + 1, 1)
      gather_wait(j, 0)
      scatter(j, 0)
      scatter_wait(j, 0)
      @pl.when(i + 1 < kc // 2)
      def _():
        gather(j + 2, 0)
      gather_wait(j + 1, 1)
      scatter(j + 1, 1)
      return carry

    lax.fori_loop(0, kc // 2, pair, 0)
    scatter_wait(kc - 1, 1)
    plsc.subcore_barrier()

    pltpu.sync_copy(acc.at[pl.ds(s * rpw, rpw)],
                    out_hbm.at[c, pl.ds(s * rpw, rpw)])

  zeros = jnp.zeros((ZC, dh), jnp.bfloat16)
  return pl.kernel(
      body,
      out_type=jax.ShapeDtypeStruct((NC, tot, dh), jnp.bfloat16),
      mesh=mesh,
      compiler_params=pltpu.CompilerParams(use_tc_tiling_on_sc=False),
      scratch_types=[
          pltpu.VMEM((kc, C), jnp.int32),
          pltpu.VMEM((kc, C), jnp.int32),
          [pltpu.VMEM((C, dh), jnp.bfloat16)] * 2,
          pltpu.VMEM((ZC, dh), jnp.bfloat16),
          pltpu.VMEM_SHARED((tot, dh), jnp.bfloat16),
          [pltpu.SemaphoreType.DMA] * 2,
          [pltpu.SemaphoreType.DMA] * 2,
      ],
  )(table, srcs, dsts, zeros)


def _linear(p, w, b, relu, split_out, n):
  _, _, rows, dh = p.shape
  dout = w.shape[1]
  blk = 2000
  assert n % blk == 0

  def body(p_ref, w_ref, b_ref, o_ref):
    pf = p_ref[...].astype(jnp.float32)
    ssum = jnp.concatenate([pf[0, 0] + pf[0, 1], pf[1, 0] + pf[1, 1]], axis=1)
    y = lax.dot_general(ssum, w_ref[...], (((1,), (0,)), ((), ())),
                        preferred_element_type=jnp.float32,
                        precision=lax.Precision.HIGHEST)
    y = y + b_ref[...]
    if relu:
      y = jnp.maximum(y, 0.0)
    if split_out:
      yb = y.astype(jnp.bfloat16)
      o_ref[...] = yb.reshape(yb.shape[0], 2, dout // 2)
    else:
      o_ref[...] = y

  if split_out:
    out_shape = jax.ShapeDtypeStruct((n, 2, dout // 2), jnp.bfloat16)
    out_specs = pl.BlockSpec((blk, 2, dout // 2), lambda i: (i, 0, 0))
  else:
    out_shape = jax.ShapeDtypeStruct((n, dout), jnp.float32)
    out_specs = pl.BlockSpec((blk, dout), lambda i: (i, 0))

  return pl.pallas_call(
      body,
      grid=(n // blk,),
      in_specs=[
          pl.BlockSpec((2, 2, blk, dh), lambda i: (0, 0, i, 0)),
          pl.BlockSpec((dh * 2, dout), lambda i: (0, 0)),
          pl.BlockSpec((1, dout), lambda i: (0, 0)),
      ],
      out_specs=out_specs,
      out_shape=out_shape,
  )(p, w, b.reshape(1, dout))


def kernel(x, edge_index, W1, b1, W2, b2):
  n, d = x.shape
  dh = d // 2
  e = edge_index.shape[1]
  src = edge_index[0].astype(jnp.int32)
  dst = edge_index[1].astype(jnp.int32)

  kc = 2 * (-(-e // (NS * C * 2)))
  e_pad = kc * NS * C
  acc_rows = (n // 2048 + 1) * 2048

  pad = e_pad - e
  src_p = jnp.concatenate([src, jnp.zeros((pad,), jnp.int32)])
  dst_p = jnp.concatenate([dst, jnp.full((pad,), n, jnp.int32)])
  srcs = src_p.reshape(NS, kc, C)
  srcs2 = jnp.stack([2 * srcs, 2 * srcs + 1])
  parity = (jnp.arange(kc, dtype=jnp.int32) % 2)[None, :, None]
  dsts = dst_p.reshape(NS, kc, C) + parity * acc_rows

  tbl1 = x.astype(jnp.bfloat16).reshape(2 * n, dh)

  p1 = _seg_sum_split(tbl1, srcs2, dsts, acc_rows)
  h = _linear(p1.reshape(2, 2, acc_rows, dh), W1, b1, True, True, n)
  p2 = _seg_sum_split(h.reshape(2 * n, dh), srcs2, dsts, acc_rows)
  return _linear(p2.reshape(2, 2, acc_rows, dh), W2, b2, False, False, n)

# --- scband reference (transcript-rebuilt; emitter-appended) ---
"""Pipeline reference for scband-gcn-17162689314849 (READ-ONLY COPY).

The authoritative reference and input builder live on the scoring server;
editing this copy changes nothing except your own understanding.
"""

import jax, jax.numpy as jnp
import numpy as np

N_NODES = 10000
D_IN = 128
D_HID = 128
D_OUT = 128
N_EDGES = 320000

def setup_inputs(seed: int = 0) -> dict:
    key = jax.random.key(seed)
    k1, k2, k3, k4, k5, k6, k7 = jax.random.split(key, 7)
    x = jax.random.normal(k1, (N_NODES, D_IN), dtype=jnp.float32)
    edge_index = jax.random.randint(k2, (2, N_EDGES), 0, N_NODES, dtype=jnp.int64)
    s1 = 1.0 / np.sqrt(D_IN)
    s2 = 1.0 / np.sqrt(D_HID)
    W1 = jax.random.uniform(k3, (D_IN, D_HID), dtype=jnp.float32, minval=-s1, maxval=s1)
    b1 = jax.random.uniform(k4, (D_HID,), dtype=jnp.float32, minval=-s1, maxval=s1)
    W2 = jax.random.uniform(k5, (D_HID, D_OUT), dtype=jnp.float32, minval=-s2, maxval=s2)
    b2 = jax.random.uniform(k6, (D_OUT,), dtype=jnp.float32, minval=-s2, maxval=s2)
    return {"x": x, "edge_index": edge_index, "W1": W1, "b1": b1, "W2": W2, "b2": b2}

def reference(x, edge_index, W1, b1, W2, b2):
    src = edge_index[0]
    dst = edge_index[1]
    # Layer 1: copy_u -> sum reduce (gather src features, scatter-add to dst), then linear
    h = jax.ops.segment_sum(jnp.take(x, src, axis=0), dst, num_segments=N_NODES)
    h = h @ W1 + b1
    h = jax.nn.relu(h)
    # Layer 2
    h = jax.ops.segment_sum(jnp.take(h, src, axis=0), dst, num_segments=N_NODES)
    h = h @ W2 + b2
    return h

if __name__ == "__main__":
    import jax
    _d = setup_inputs()
    print(jax.jit(kernel)(*tuple(_d.values())))

</pallas_src>

<mosaic_0001>
#map = affine_map<(d0, d1) -> (0, 0)>
#map1 = affine_map<(d0, d1) -> (0, 0, 0, 0)>
#map2 = affine_map<(d0, d1) -> (0, 0, 0)>
module attributes {stable_mosaic.version = 14 : i64} {
  func.func @body(%arg0: i32, %arg1: i32, %arg2: memref<20000x64xbf16, #tpu.memory_space<hbm>>, %arg3: memref<2x16x158x128xi32, #tpu.memory_space<hbm>>, %arg4: memref<16x158x128xi32, #tpu.memory_space<hbm>>, %arg5: memref<128x64xbf16, #tpu.memory_space<hbm>>, %arg6: memref<2x20480x64xbf16, #tpu.memory_space<hbm>>, %arg7: memref<158x128xi32, #tpu.memory_space<vmem>>, %arg8: memref<158x128xi32, #tpu.memory_space<vmem>>, %arg9: memref<128x64xbf16, #tpu.memory_space<vmem>>, %arg10: memref<128x64xbf16, #tpu.memory_space<vmem>>, %arg11: memref<128x64xbf16, #tpu.memory_space<vmem>>, %arg12: memref<20480x64xbf16, #tpu.memory_space<vmem_shared>>, %arg13: memref<!tpu.dma_semaphore, #tpu.memory_space<semaphore_mem>>, %arg14: memref<!tpu.dma_semaphore, #tpu.memory_space<semaphore_mem>>, %arg15: memref<!tpu.dma_semaphore, #tpu.memory_space<semaphore_mem>>, %arg16: memref<!tpu.dma_semaphore, #tpu.memory_space<semaphore_mem>>) attributes {dimension_semantics = [#tpu.dimension_semantics<core_parallel>, #tpu.dimension_semantics<subcore_parallel>], iteration_bounds = array<i64: 2, 16>, scalar_prefetch = 0 : i64, scratch_operands = 10 : i64, tpu.core_type = #tpu.core_type<sc_vector_subcore>, window_params = [{transform_indices = #map}, {transform_indices = #map1}, {transform_indices = #map2}, {transform_indices = #map}, {transform_indices = #map2}]} {
    "tpu.region"() ({
      %run_scoped3A = tpu.sem_alloc : memref<!tpu.dma_semaphore, #tpu.memory_space<semaphore_mem>>
      tpu.enqueue_dma source(%arg5 : memref<128x64xbf16, #tpu.memory_space<hbm>>) target(%arg11 : memref<128x64xbf16, #tpu.memory_space<vmem>>) target_semaphore(%run_scoped3A : memref<!tpu.dma_semaphore, #tpu.memory_space<semaphore_mem>>)
      tpu.wait_dma2 semaphore(%run_scoped3A : memref<!tpu.dma_semaphore, #tpu.memory_space<semaphore_mem>>) src(%arg5 : memref<128x64xbf16, #tpu.memory_space<hbm>>) dst(%arg11 : memref<128x64xbf16, #tpu.memory_space<vmem>>)
      tpu.yield
    }) : () -> ()
    %mul3A = arith.constant 10 : i32
    %mul3A_0 = arith.muli %arg1, %mul3A : i32
    %add3A = arith.constant 0 : i32
    %add3A_1 = arith.addi %mul3A_0, %add3A : i32
    %mul3A_2 = arith.constant 128 : i32
    %mul3A_3 = arith.muli %add3A_1, %mul3A_2 : i32
    "tpu.region"() ({
      %run_scoped3A = tpu.sem_alloc : memref<!tpu.dma_semaphore, #tpu.memory_space<semaphore_mem>>
      %dma_start3A_80 = arith.constant 0 : i32
      %dma_start3A_81 = tpu.memref_slice %arg12[%mul3A_3, %dma_start3A_80] : memref<20480x64xbf16, #tpu.memory_space<vmem_shared>> -> memref<128x64xbf16, #tpu.memory_space<vmem_shared>>
      %dma_start3A_82 = arith.constant 0 : i32
      %dma_start3A_83 = tpu.memref_slice %arg12[%mul3A_3, %dma_start3A_82] : memref<20480x64xbf16, #tpu.memory_space<vmem_shared>> -> memref<128x64xbf16, #tpu.memory_space<vmem_shared>>
      tpu.enqueue_dma source(%arg11 : memref<128x64xbf16, #tpu.memory_space<vmem>>) target(%dma_start3A_83 : memref<128x64xbf16, #tpu.memory_space<vmem_shared>>) target_semaphore(%run_scoped3A : memref<!tpu.dma_semaphore, #tpu.memory_space<semaphore_mem>>)
      %dma_wait3A_84 = arith.constant 0 : i32
      %dma_wait3A_85 = tpu.memref_slice %arg12[%mul3A_3, %dma_wait3A_84] : memref<20480x64xbf16, #tpu.memory_space<vmem_shared>> -> memref<128x64xbf16, #tpu.memory_space<vmem_shared>>
      %dma_wait3A_86 = arith.constant 0 : i32
      %dma_wait3A_87 = tpu.memref_slice %arg12[%mul3A_3, %dma_wait3A_86] : memref<20480x64xbf16, #tpu.memory_space<vmem_shared>> -> memref<128x64xbf16, #tpu.memory_space<vmem_shared>>
      tpu.wait_dma2 semaphore(%run_scoped3A : memref<!tpu.dma_semaphore, #tpu.memory_space<semaphore_mem>>) src(%arg11 : memref<128x64xbf16, #tpu.memory_space<vmem>>) dst(%dma_wait3A_87 : memref<128x64xbf16, #tpu.memory_space<vmem_shared>>)
      tpu.yield
    }) : () -> ()
    %mul3A_4 = arith.constant 10 : i32
    %mul3A_5 = arith.muli %arg1, %mul3A_4 : i32
    %add3A_6 = arith.constant 1 : i32
    %add3A_7 = arith.addi %mul3A_5, %add3A_6 : i32
    %mul3A_8 = arith.constant 128 : i32
    %mul3A_9 = arith.muli %add3A_7, %mul3A_8 : i32
    "tpu.region"() ({
      %run_scoped3A = tpu.sem_alloc : memref<!tpu.dma_semaphore, #tpu.memory_space<semaphore_mem>>
      %dma_start3A_80 = arith.constant 0 : i32
      %dma_start3A_81 = tpu.memref_slice %arg12[%mul3A_9, %dma_start3A_80] : memref<20480x64xbf16, #tpu.memory_space<vmem_shared>> -> memref<128x64xbf16, #tpu.memory_space<vmem_shared>>
      %dma_start3A_82 = arith.constant 0 : i32
      %dma_start3A_83 = tpu.memref_slice %arg12[%mul3A_9, %dma_start3A_82] : memref<20480x64xbf16, #tpu.memory_space<vmem_shared>> -> memref<128x64xbf16, #tpu.memory_space<vmem_shared>>
      tpu.enqueue_dma source(%arg11 : memref<128x64xbf16, #tpu.memory_space<vmem>>) target(%dma_start3A_83 : memref<128x64xbf16, #tpu.memory_space<vmem_shared>>) target_semaphore(%run_scoped3A : memref<!tpu.dma_semaphore, #tpu.memory_space<semaphore_mem>>)
      %dma_wait3A_84 = arith.constant 0 : i32
      %dma_wait3A_85 = tpu.memref_slice %arg12[%mul3A_9, %dma_wait3A_84] : memref<20480x64xbf16, #tpu.memory_space<vmem_shared>> -> memref<128x64xbf16, #tpu.memory_space<vmem_shared>>
      %dma_wait3A_86 = arith.constant 0 : i32
      %dma_wait3A_87 = tpu.memref_slice %arg12[%mul3A_9, %dma_wait3A_86] : memref<20480x64xbf16, #tpu.memory_space<vmem_shared>> -> memref<128x64xbf16, #tpu.memory_space<vmem_shared>>
      tpu.wait_dma2 semaphore(%run_scoped3A : memref<!tpu.dma_semaphore, #tpu.memory_space<semaphore_mem>>) src(%arg11 : memref<128x64xbf16, #tpu.memory_space<vmem>>) dst(%dma_wait3A_87 : memref<128x64xbf16, #tpu.memory_space<vmem_shared>>)
      tpu.yield
    }) : () -> ()
    %mul3A_10 = arith.constant 10 : i32
    %mul3A_11 = arith.muli %arg1, %mul3A_10 : i32
    %add3A_12 = arith.constant 2 : i32
    %add3A_13 = arith.addi %mul3A_11, %add3A_12 : i32
    %mul3A_14 = arith.constant 128 : i32
    %mul3A_15 = arith.muli %add3A_13, %mul3A_14 : i32
    "tpu.region"() ({
      %run_scoped3A = tpu.sem_alloc : memref<!tpu.dma_semaphore, #tpu.memory_space<semaphore_mem>>
      %dma_start3A_80 = arith.constant 0 : i32
      %dma_start3A_81 = tpu.memref_slice %arg12[%mul3A_15, %dma_start3A_80] : memref<20480x64xbf16, #tpu.memory_space<vmem_shared>> -> memref<128x64xbf16, #tpu.memory_space<vmem_shared>>
      %dma_start3A_82 = arith.constant 0 : i32
      %dma_start3A_83 = tpu.memref_slice %arg12[%mul3A_15, %dma_start3A_82] : memref<20480x64xbf16, #tpu.memory_space<vmem_shared>> -> memref<128x64xbf16, #tpu.memory_space<vmem_shared>>
      tpu.enqueue_dma source(%arg11 : memref<128x64xbf16, #tpu.memory_space<vmem>>) target(%dma_start3A_83 : memref<128x64xbf16, #tpu.memory_space<vmem_shared>>) target_semaphore(%run_scoped3A : memref<!tpu.dma_semaphore, #tpu.memory_space<semaphore_mem>>)
      %dma_wait3A_84 = arith.constant 0 : i32
      %dma_wait3A_85 = tpu.memref_slice %arg12[%mul3A_15, %dma_wait3A_84] : memref<20480x64xbf16, #tpu.memory_space<vmem_shared>> -> memref<128x64xbf16, #tpu.memory_space<vmem_shared>>
      %dma_wait3A_86 = arith.constant 0 : i32
      %dma_wait3A_87 = tpu.memref_slice %arg12[%mul3A_15, %dma_wait3A_86] : memref<20480x64xbf16, #tpu.memory_space<vmem_shared>> -> memref<128x64xbf16, #tpu.memory_space<vmem_shared>>
      tpu.wait_dma2 semaphore(%run_scoped3A : memref<!tpu.dma_semaphore, #tpu.memory_space<semaphore_mem>>) src(%arg11 : memref<128x64xbf16, #tpu.memory_space<vmem>>) dst(%dma_wait3A_87 : memref<128x64xbf16, #tpu.memory_space<vmem_shared>>)
      tpu.yield
    }) : () -> ()
    %mul3A_16 = arith.constant 10 : i32
    %mul3A_17 = arith.muli %arg1, %mul3A_16 : i32
    %add3A_18 = arith.constant 3 : i32
    %add3A_19 = arith.addi %mul3A_17, %add3A_18 : i32
    %mul3A_20 = arith.constant 128 : i32
    %mul3A_21 = arith.muli %add3A_19, %mul3A_20 : i32
    "tpu.region"() ({
      %run_scoped3A = tpu.sem_alloc : memref<!tpu.dma_semaphore, #tpu.memory_space<semaphore_mem>>
      %dma_start3A_80 = arith.constant 0 : i32
      %dma_start3A_81 = tpu.memref_slice %arg12[%mul3A_21, %dma_start3A_80] : memref<20480x64xbf16, #tpu.memory_space<vmem_shared>> -> memref<128x64xbf16, #tpu.memory_space<vmem_shared>>
      %dma_start3A_82 = arith.constant 0 : i32
      %dma_start3A_83 = tpu.memref_slice %arg12[%mul3A_21, %dma_start3A_82] : memref<20480x64xbf16, #tpu.memory_space<vmem_shared>> -> memref<128x64xbf16, #tpu.memory_space<vmem_shared>>
      tpu.enqueue_dma source(%arg11 : memref<128x64xbf16, #tpu.memory_space<vmem>>) target(%dma_start3A_83 : memref<128x64xbf16, #tpu.memory_space<vmem_shared>>) target_semaphore(%run_scoped3A : memref<!tpu.dma_semaphore, #tpu.memory_space<semaphore_mem>>)
      %dma_wait3A_84 = arith.constant 0 : i32
      %dma_wait3A_85 = tpu.memref_slice %arg12[%mul3A_21, %dma_wait3A_84] : memref<20480x64xbf16, #tpu.memory_space<vmem_shared>> -> memref<128x64xbf16, #tpu.memory_space<vmem_shared>>
      %dma_wait3A_86 = arith.constant 0 : i32
      %dma_wait3A_87 = tpu.memref_slice %arg12[%mul3A_21, %dma_wait3A_86] : memref<20480x64xbf16, #tpu.memory_space<vmem_shared>> -> memref<128x64xbf16, #tpu.memory_space<vmem_shared>>
      tpu.wait_dma2 semaphore(%run_scoped3A : memref<!tpu.dma_semaphore, #tpu.memory_space<semaphore_mem>>) src(%arg11 : memref<128x64xbf16, #tpu.memory_space<vmem>>) dst(%dma_wait3A_87 : memref<128x64xbf16, #tpu.memory_space<vmem_shared>>)
      tpu.yield
    }) : () -> ()
    %mul3A_22 = arith.constant 10 : i32
    %mul3A_23 = arith.muli %arg1, %mul3A_22 : i32
    %add3A_24 = arith.constant 4 : i32
    %add3A_25 = arith.addi %mul3A_23, %add3A_24 : i32
    %mul3A_26 = arith.constant 128 : i32
    %mul3A_27 = arith.muli %add3A_25, %mul3A_26 : i32
    "tpu.region"() ({
      %run_scoped3A = tpu.sem_alloc : memref<!tpu.dma_semaphore, #tpu.memory_space<semaphore_mem>>
      %dma_start3A_80 = arith.constant 0 : i32
      %dma_start3A_81 = tpu.memref_slice %arg12[%mul3A_27, %dma_start3A_80] : memref<20480x64xbf16, #tpu.memory_space<vmem_shared>> -> memref<128x64xbf16, #tpu.memory_space<vmem_shared>>
      %dma_start3A_82 = arith.constant 0 : i32
      %dma_start3A_83 = tpu.memref_slice %arg12[%mul3A_27, %dma_start3A_82] : memref<20480x64xbf16, #tpu.memory_space<vmem_shared>> -> memref<128x64xbf16, #tpu.memory_space<vmem_shared>>
      tpu.enqueue_dma source(%arg11 : memref<128x64xbf16, #tpu.memory_space<vmem>>) target(%dma_start3A_83 : memref<128x64xbf16, #tpu.memory_space<vmem_shared>>) target_semaphore(%run_scoped3A : memref<!tpu.dma_semaphore, #tpu.memory_space<semaphore_mem>>)
      %dma_wait3A_84 = arith.constant 0 : i32
      %dma_wait3A_85 = tpu.memref_slice %arg12[%mul3A_27, %dma_wait3A_84] : memref<20480x64xbf16, #tpu.memory_space<vmem_shared>> -> memref<128x64xbf16, #tpu.memory_space<vmem_shared>>
      %dma_wait3A_86 = arith.constant 0 : i32
      %dma_wait3A_87 = tpu.memref_slice %arg12[%mul3A_27, %dma_wait3A_86] : memref<20480x64xbf16, #tpu.memory_space<vmem_shared>> -> memref<128x64xbf16, #tpu.memory_space<vmem_shared>>
      tpu.wait_dma2 semaphore(%run_scoped3A : memref<!tpu.dma_semaphore, #tpu.memory_space<semaphore_mem>>) src(%arg11 : memref<128x64xbf16, #tpu.memory_space<vmem>>) dst(%dma_wait3A_87 : memref<128x64xbf16, #tpu.memory_space<vmem_shared>>)
      tpu.yield
    }) : () -> ()
    %mul3A_28 = arith.constant 10 : i32
    %mul3A_29 = arith.muli %arg1, %mul3A_28 : i32
    %add3A_30 = arith.constant 5 : i32
    %add3A_31 = arith.addi %mul3A_29, %add3A_30 : i32
    %mul3A_32 = arith.constant 128 : i32
    %mul3A_33 = arith.muli %add3A_31, %mul3A_32 : i32
    "tpu.region"() ({
      %run_scoped3A = tpu.sem_alloc : memref<!tpu.dma_semaphore, #tpu.memory_space<semaphore_mem>>
      %dma_start3A_80 = arith.constant 0 : i32
      %dma_start3A_81 = tpu.memref_slice %arg12[%mul3A_33, %dma_start3A_80] : memref<20480x64xbf16, #tpu.memory_space<vmem_shared>> -> memref<128x64xbf16, #tpu.memory_space<vmem_shared>>
      %dma_start3A_82 = arith.constant 0 : i32
      %dma_start3A_83 = tpu.memref_slice %arg12[%mul3A_33, %dma_start3A_82] : memref<20480x64xbf16, #tpu.memory_space<vmem_shared>> -> memref<128x64xbf16, #tpu.memory_space<vmem_shared>>
      tpu.enqueue_dma source(%arg11 : memref<128x64xbf16, #tpu.memory_space<vmem>>) target(%dma_start3A_83 : memref<128x64xbf16, #tpu.memory_space<vmem_shared>>) target_semaphore(%run_scoped3A : memref<!tpu.dma_semaphore, #tpu.memory_space<semaphore_mem>>)
      %dma_wait3A_84 = arith.constant 0 : i32
      %dma_wait3A_85 = tpu.memref_slice %arg12[%mul3A_33, %dma_wait3A_84] : memref<20480x64xbf16, #tpu.memory_space<vmem_shared>> -> memref<128x64xbf16, #tpu.memory_space<vmem_shared>>
      %dma_wait3A_86 = arith.constant 0 : i32
      %dma_wait3A_87 = tpu.memref_slice %arg12[%mul3A_33, %dma_wait3A_86] : memref<20480x64xbf16, #tpu.memory_space<vmem_shared>> -> memref<128x64xbf16, #tpu.memory_space<vmem_shared>>
      tpu.wait_dma2 semaphore(%run_scoped3A : memref<!tpu.dma_semaphore, #tpu.memory_space<semaphore_mem>>) src(%arg11 : memref<128x64xbf16, #tpu.memory_space<vmem>>) dst(%dma_wait3A_87 : memref<128x64xbf16, #tpu.memory_space<vmem_shared>>)
      tpu.yield
    }) : () -> ()
    %mul3A_34 = arith.constant 10 : i32
    %mul3A_35 = arith.muli %arg1, %mul3A_34 : i32
    %add3A_36 = arith.constant 6 : i32
    %add3A_37 = arith.addi %mul3A_35, %add3A_36 : i32
    %mul3A_38 = arith.constant 128 : i32
    %mul3A_39 = arith.muli %add3A_37, %mul3A_38 : i32
    "tpu.region"() ({
      %run_scoped3A = tpu.sem_alloc : memref<!tpu.dma_semaphore, #tpu.memory_space<semaphore_mem>>
      %dma_start3A_80 = arith.constant 0 : i32
      %dma_start3A_81 = tpu.memref_slice %arg12[%mul3A_39, %dma_start3A_80] : memref<20480x64xbf16, #tpu.memory_space<vmem_shared>> -> memref<128x64xbf16, #tpu.memory_space<vmem_shared>>
      %dma_start3A_82 = arith.constant 0 : i32
      %dma_start3A_83 = tpu.memref_slice %arg12[%mul3A_39, %dma_start3A_82] : memref<20480x64xbf16, #tpu.memory_space<vmem_shared>> -> memref<128x64xbf16, #tpu.memory_space<vmem_shared>>
      tpu.enqueue_dma source(%arg11 : memref<128x64xbf16, #tpu.memory_space<vmem>>) target(%dma_start3A_83 : memref<128x64xbf16, #tpu.memory_space<vmem_shared>>) target_semaphore(%run_scoped3A : memref<!tpu.dma_semaphore, #tpu.memory_space<semaphore_mem>>)
      %dma_wait3A_84 = arith.constant 0 : i32
      %dma_wait3A_85 = tpu.memref_slice %arg12[%mul3A_39, %dma_wait3A_84] : memref<20480x64xbf16, #tpu.memory_space<vmem_shared>> -> memref<128x64xbf16, #tpu.memory_space<vmem_shared>>
      %dma_wait3A_86 = arith.constant 0 : i32
      %dma_wait3A_87 = tpu.memref_slice %arg12[%mul3A_39, %dma_wait3A_86] : memref<20480x64xbf16, #tpu.memory_space<vmem_shared>> -> memref<128x64xbf16, #tpu.memory_space<vmem_shared>>
      tpu.wait_dma2 semaphore(%run_scoped3A : memref<!tpu.dma_semaphore, #tpu.memory_space<semaphore_mem>>) src(%arg11 : memref<128x64xbf16, #tpu.memory_space<vmem>>) dst(%dma_wait3A_87 : memref<128x64xbf16, #tpu.memory_space<vmem_shared>>)
      tpu.yield
    }) : () -> ()
    %mul3A_40 = arith.constant 10 : i32
    %mul3A_41 = arith.muli %arg1, %mul3A_40 : i32
    %add3A_42 = arith.constant 7 : i32
    %add3A_43 = arith.addi %mul3A_41, %add3A_42 : i32
    %mul3A_44 = arith.constant 128 : i32
    %mul3A_45 = arith.muli %add3A_43, %mul3A_44 : i32
    "tpu.region"() ({
      %run_scoped3A = tpu.sem_alloc : memref<!tpu.dma_semaphore, #tpu.memory_space<semaphore_mem>>
      %dma_start3A_80 = arith.constant 0 : i32
      %dma_start3A_81 = tpu.memref_slice %arg12[%mul3A_45, %dma_start3A_80] : memref<20480x64xbf16, #tpu.memory_space<vmem_shared>> -> memref<128x64xbf16, #tpu.memory_space<vmem_shared>>
      %dma_start3A_82 = arith.constant 0 : i32
      %dma_start3A_83 = tpu.memref_slice %arg12[%mul3A_45, %dma_start3A_82] : memref<20480x64xbf16, #tpu.memory_space<vmem_shared>> -> memref<128x64xbf16, #tpu.memory_space<vmem_shared>>
      tpu.enqueue_dma source(%arg11 : memref<128x64xbf16, #tpu.memory_space<vmem>>) target(%dma_start3A_83 : memref<128x64xbf16, #tpu.memory_space<vmem_shared>>) target_semaphore(%run_scoped3A : memref<!tpu.dma_semaphore, #tpu.memory_space<semaphore_mem>>)
      %dma_wait3A_84 = arith.constant 0 : i32
      %dma_wait3A_85 = tpu.memref_slice %arg12[%mul3A_45, %dma_wait3A_84] : memref<20480x64xbf16, #tpu.memory_space<vmem_shared>> -> memref<128x64xbf16, #tpu.memory_space<vmem_shared>>
      %dma_wait3A_86 = arith.constant 0 : i32
      %dma_wait3A_87 = tpu.memref_slice %arg12[%mul3A_45, %dma_wait3A_86] : memref<20480x64xbf16, #tpu.memory_space<vmem_shared>> -> memref<128x64xbf16, #tpu.memory_space<vmem_shared>>
      tpu.wait_dma2 semaphore(%run_scoped3A : memref<!tpu.dma_semaphore, #tpu.memory_space<semaphore_mem>>) src(%arg11 : memref<128x64xbf16, #tpu.memory_space<vmem>>) dst(%dma_wait3A_87 : memref<128x64xbf16, #tpu.memory_space<vmem_shared>>)
      tpu.yield
    }) : () -> ()
    %mul3A_46 = arith.constant 10 : i32
    %mul3A_47 = arith.muli %arg1, %mul3A_46 : i32
    %add3A_48 = arith.constant 8 : i32
    %add3A_49 = arith.addi %mul3A_47, %add3A_48 : i32
    %mul3A_50 = arith.constant 128 : i32
    %mul3A_51 = arith.muli %add3A_49, %mul3A_50 : i32
    "tpu.region"() ({
      %run_scoped3A = tpu.sem_alloc : memref<!tpu.dma_semaphore, #tpu.memory_space<semaphore_mem>>
      %dma_start3A_80 = arith.constant 0 : i32
      %dma_start3A_81 = tpu.memref_slice %arg12[%mul3A_51, %dma_start3A_80] : memref<20480x64xbf16, #tpu.memory_space<vmem_shared>> -> memref<128x64xbf16, #tpu.memory_space<vmem_shared>>
      %dma_start3A_82 = arith.constant 0 : i32
      %dma_start3A_83 = tpu.memref_slice %arg12[%mul3A_51, %dma_start3A_82] : memref<20480x64xbf16, #tpu.memory_space<vmem_shared>> -> memref<128x64xbf16, #tpu.memory_space<vmem_shared>>
      tpu.enqueue_dma source(%arg11 : memref<128x64xbf16, #tpu.memory_space<vmem>>) target(%dma_start3A_83 : memref<128x64xbf16, #tpu.memory_space<vmem_shared>>) target_semaphore(%run_scoped3A : memref<!tpu.dma_semaphore, #tpu.memory_space<semaphore_mem>>)
      %dma_wait3A_84 = arith.constant 0 : i32
      %dma_wait3A_85 = tpu.memref_slice %arg12[%mul3A_51, %dma_wait3A_84] : memref<20480x64xbf16, #tpu.memory_space<vmem_shared>> -> memref<128x64xbf16, #tpu.memory_space<vmem_shared>>
      %dma_wait3A_86 = arith.constant 0 : i32
      %dma_wait3A_87 = tpu.memref_slice %arg12[%mul3A_51, %dma_wait3A_86] : memref<20480x64xbf16, #tpu.memory_space<vmem_shared>> -> memref<128x64xbf16, #tpu.memory_space<vmem_shared>>
      tpu.wait_dma2 semaphore(%run_scoped3A : memref<!tpu.dma_semaphore, #tpu.memory_space<semaphore_mem>>) src(%arg11 : memref<128x64xbf16, #tpu.memory_space<vmem>>) dst(%dma_wait3A_87 : memref<128x64xbf16, #tpu.memory_space<vmem_shared>>)
      tpu.yield
    }) : () -> ()
    %mul3A_52 = arith.constant 10 : i32
    %mul3A_53 = arith.muli %arg1, %mul3A_52 : i32
    %add3A_54 = arith.constant 9 : i32
    %add3A_55 = arith.addi %mul3A_53, %add3A_54 : i32
    %mul3A_56 = arith.constant 128 : i32
    %mul3A_57 = arith.muli %add3A_55, %mul3A_56 : i32
    "tpu.region"() ({
      %run_scoped3A = tpu.sem_alloc : memref<!tpu.dma_semaphore, #tpu.memory_space<semaphore_mem>>
      %dma_start3A_80 = arith.constant 0 : i32
      %dma_start3A_81 = tpu.memref_slice %arg12[%mul3A_57, %dma_start3A_80] : memref<20480x64xbf16, #tpu.memory_space<vmem_shared>> -> memref<128x64xbf16, #tpu.memory_space<vmem_shared>>
      %dma_start3A_82 = arith.constant 0 : i32
      %dma_start3A_83 = tpu.memref_slice %arg12[%mul3A_57, %dma_start3A_82] : memref<20480x64xbf16, #tpu.memory_space<vmem_shared>> -> memref<128x64xbf16, #tpu.memory_space<vmem_shared>>
      tpu.enqueue_dma source(%arg11 : memref<128x64xbf16, #tpu.memory_space<vmem>>) target(%dma_start3A_83 : memref<128x64xbf16, #tpu.memory_space<vmem_shared>>) target_semaphore(%run_scoped3A : memref<!tpu.dma_semaphore, #tpu.memory_space<semaphore_mem>>)
      %dma_wait3A_84 = arith.constant 0 : i32
      %dma_wait3A_85 = tpu.memref_slice %arg12[%mul3A_57, %dma_wait3A_84] : memref<20480x64xbf16, #tpu.memory_space<vmem_shared>> -> memref<128x64xbf16, #tpu.memory_space<vmem_shared>>
      %dma_wait3A_86 = arith.constant 0 : i32
      %dma_wait3A_87 = tpu.memref_slice %arg12[%mul3A_57, %dma_wait3A_86] : memref<20480x64xbf16, #tpu.memory_space<vmem_shared>> -> memref<128x64xbf16, #tpu.memory_space<vmem_shared>>
      tpu.wait_dma2 semaphore(%run_scoped3A : memref<!tpu.dma_semaphore, #tpu.memory_space<semaphore_mem>>) src(%arg11 : memref<128x64xbf16, #tpu.memory_space<vmem>>) dst(%dma_wait3A_87 : memref<128x64xbf16, #tpu.memory_space<vmem_shared>>)
      tpu.yield
    }) : () -> ()
    %barrier3A = arith.constant 0 : index
    tpu.barrier barrier_id(%barrier3A)
    "tpu.region"() ({
      %run_scoped3A = tpu.sem_alloc : memref<!tpu.dma_semaphore, #tpu.memory_space<semaphore_mem>>
      %dma_start3A_80 = arith.constant 0 : i32
      %dma_start3A_81 = arith.constant 0 : i32
      %dma_start3A_82 = tpu.memref_slice %arg3[%arg0, %arg1, %dma_start3A_80, %dma_start3A_81] : memref<2x16x158x128xi32, #tpu.memory_space<hbm>> -> memref<1x1x158x128xi32, #tpu.memory_space<hbm>>
      %dma_start3A_83 = tpu.memref_squeeze %dma_start3A_82 : memref<1x1x158x128xi32, #tpu.memory_space<hbm>> -> memref<158x128xi32, #tpu.memory_space<hbm>>
      %dma_start3A_84 = arith.constant 0 : i32
      %dma_start3A_85 = arith.constant 0 : i32
      %dma_start3A_86 = tpu.memref_slice %arg3[%arg0, %arg1, %dma_start3A_84, %dma_start3A_85] : memref<2x16x158x128xi32, #tpu.memory_space<hbm>> -> memref<1x1x158x128xi32, #tpu.memory_space<hbm>>
      %dma_start3A_87 = tpu.memref_squeeze %dma_start3A_86 : memref<1x1x158x128xi32, #tpu.memory_space<hbm>> -> memref<158x128xi32, #tpu.memory_space<hbm>>
      tpu.enqueue_dma source(%dma_start3A_87 : memref<158x128xi32, #tpu.memory_space<hbm>>) target(%arg7 : memref<158x128xi32, #tpu.memory_space<vmem>>) target_semaphore(%run_scoped3A : memref<!tpu.dma_semaphore, #tpu.memory_space<semaphore_mem>>)
      %dma_wait3A_88 = arith.constant 0 : i32
      %dma_wait3A_89 = arith.constant 0 : i32
      %dma_wait3A_90 = tpu.memref_slice %arg3[%arg0, %arg1, %dma_wait3A_88, %dma_wait3A_89] : memref<2x16x158x128xi32, #tpu.memory_space<hbm>> -> memref<1x1x158x128xi32, #tpu.memory_space<hbm>>
      %dma_wait3A_91 = tpu.memref_squeeze %dma_wait3A_90 : memref<1x1x158x128xi32, #tpu.memory_space<hbm>> -> memref<158x128xi32, #tpu.memory_space<hbm>>
      %dma_wait3A_92 = arith.constant 0 : i32
      %dma_wait3A_93 = arith.constant 0 : i32
      %dma_wait3A_94 = tpu.memref_slice %arg3[%arg0, %arg1, %dma_wait3A_92, %dma_wait3A_93] : memref<2x16x158x128xi32, #tpu.memory_space<hbm>> -> memref<1x1x158x128xi32, #tpu.memory_space<hbm>>
      %dma_wait3A_95 = tpu.memref_squeeze %dma_wait3A_94 : memref<1x1x158x128xi32, #tpu.memory_space<hbm>> -> memref<158x128xi32, #tpu.memory_space<hbm>>
      tpu.wait_dma2 semaphore(%run_scoped3A : memref<!tpu.dma_semaphore, #tpu.memory_space<semaphore_mem>>) src(%dma_wait3A_95 : memref<158x128xi32, #tpu.memory_space<hbm>>) dst(%arg7 : memref<158x128xi32, #tpu.memory_space<vmem>>)
      tpu.yield
    }) : () -> ()
    "tpu.region"() ({
      %run_scoped3A = tpu.sem_alloc : memref<!tpu.dma_semaphore, #tpu.memory_space<semaphore_mem>>
      %dma_start3A_80 = arith.constant 0 : i32
      %dma_start3A_81 = arith.constant 0 : i32
      %dma_start3A_82 = tpu.memref_slice %arg4[%arg1, %dma_start3A_80, %dma_start3A_81] : memref<16x158x128xi32, #tpu.memory_space<hbm>> -> memref<1x158x128xi32, #tpu.memory_space<hbm>>
      %dma_start3A_83 = tpu.memref_squeeze %dma_start3A_82 : memref<1x158x128xi32, #tpu.memory_space<hbm>> -> memref<158x128xi32, #tpu.memory_space<hbm>>
      %dma_start3A_84 = arith.constant 0 : i32
      %dma_start3A_85 = arith.constant 0 : i32
      %dma_start3A_86 = tpu.memref_slice %arg4[%arg1, %dma_start3A_84, %dma_start3A_85] : memref<16x158x128xi32, #tpu.memory_space<hbm>> -> memref<1x158x128xi32, #tpu.memory_space<hbm>>
      %dma_start3A_87 = tpu.memref_squeeze %dma_start3A_86 : memref<1x158x128xi32, #tpu.memory_space<hbm>> -> memref<158x128xi32, #tpu.memory_space<hbm>>
      tpu.enqueue_dma source(%dma_start3A_87 : memref<158x128xi32, #tpu.memory_space<hbm>>) target(%arg8 : memref<158x128xi32, #tpu.memory_space<vmem>>) target_semaphore(%run_scoped3A : memref<!tpu.dma_semaphore, #tpu.memory_space<semaphore_mem>>)
      %dma_wait3A_88 = arith.constant 0 : i32
      %dma_wait3A_89 = arith.constant 0 : i32
      %dma_wait3A_90 = tpu.memref_slice %arg4[%arg1, %dma_wait3A_88, %dma_wait3A_89] : memref<16x158x128xi32, #tpu.memory_space<hbm>> -> memref<1x158x128xi32, #tpu.memory_space<hbm>>
      %dma_wait3A_91 = tpu.memref_squeeze %dma_wait3A_90 : memref<1x158x128xi32, #tpu.memory_space<hbm>> -> memref<158x128xi32, #tpu.memory_space<hbm>>
      %dma_wait3A_92 = arith.constant 0 : i32
      %dma_wait3A_93 = arith.constant 0 : i32
      %dma_wait3A_94 = tpu.memref_slice %arg4[%arg1, %dma_wait3A_92, %dma_wait3A_93] : memref<16x158x128xi32, #tpu.memory_space<hbm>> -> memref<1x158x128xi32, #tpu.memory_space<hbm>>
      %dma_wait3A_95 = tpu.memref_squeeze %dma_wait3A_94 : memref<1x158x128xi32, #tpu.memory_space<hbm>> -> memref<158x128xi32, #tpu.memory_space<hbm>>
      tpu.wait_dma2 semaphore(%run_scoped3A : memref<!tpu.dma_semaphore, #tpu.memory_space<semaphore_mem>>) src(%dma_wait3A_95 : memref<158x128xi32, #tpu.memory_space<hbm>>) dst(%arg8 : memref<158x128xi32, #tpu.memory_space<vmem>>)
      tpu.yield
    }) : () -> ()
    %dma_start3A = arith.constant 0 : i32
    %dma_start3A_58 = arith.constant 0 : i32
    %dma_start3A_59 = tpu.memref_slice %arg7[%dma_start3A, %dma_start3A_58] : memref<158x128xi32, #tpu.memory_space<vmem>> -> memref<1x128xi32, #tpu.memory_space<vmem>>
    %dma_start3A_60 = tpu.memref_squeeze %dma_start3A_59 : memref<1x128xi32, #tpu.memory_space<vmem>> -> memref<128xi32, #tpu.memory_space<vmem>>
    %dma_start3A_61 = arith.constant 0 : i32
    %dma_start3A_62 = arith.constant 0 : i32
    %dma_start3A_63 = tpu.memref_slice %arg2[%dma_start3A_61, %dma_start3A_62] : memref<20000x64xbf16, #tpu.memory_space<hbm>> -> memref<20000x64xbf16, #tpu.memory_space<hbm>>
    tpu.enqueue_indirect_dma source(%dma_start3A_63 : memref<20000x64xbf16, #tpu.memory_space<hbm>>) target(%arg9 : memref<128x64xbf16, #tpu.memory_space<vmem>>) offsets(%dma_start3A_60 : memref<128xi32, #tpu.memory_space<vmem>>) semaphore(%arg13 : memref<!tpu.dma_semaphore, #tpu.memory_space<semaphore_mem>>)
    %scan3A = arith.constant 0 : i32
    %scan3A_64 = arith.constant 0 : i32
    %scan3A_65 = arith.constant 79 : i32
    %scan3A_66 = arith.addi %scan3A_64, %scan3A_65 : i32
    %scan3A_67 = arith.constant 1 : i32
    scf.for %scan3A_80 = %scan3A_64 to %scan3A_66 step %scan3A_67  : i32 {
      %mul3A_81 = arith.constant 2 : i32
      %mul3A_82 = arith.muli %mul3A_81, %scan3A_80 : i32
      %gt3A = arith.constant 0 : i32
      %gt3A_83 = arith.cmpi sgt, %scan3A_80, %gt3A : i32
      %convert_element_type3A = arith.extui %gt3A_83 : i1 to i32
      %cond3A = arith.constant 0 : i32
      %cond3A_84 = arith.cmpi ne, %convert_element_type3A, %cond3A : i32
      scf.if %cond3A_84 {
        %sub3A = arith.constant 1 : i32
        %sub3A_133 = arith.subi %mul3A_82, %sub3A : i32
        %dma_wait3A_134 = arith.constant 0 : i32
        %dma_wait3A_135 = tpu.memref_slice %arg8[%sub3A_133, %dma_wait3A_134] : memref<158x128xi32, #tpu.memory_space<vmem>> -> memref<1x128xi32, #tpu.memory_space<vmem>>
        %dma_wait3A_136 = tpu.memref_squeeze %dma_wait3A_135 : memref<1x128xi32, #tpu.memory_space<vmem>> -> memref<128xi32, #tpu.memory_space<vmem>>
        %dma_wait3A_137 = arith.constant 0 : i32
        %dma_wait3A_138 = arith.constant 0 : i32
        %dma_wait3A_139 = tpu.memref_slice %arg12[%dma_wait3A_137, %dma_wait3A_138] : memref<20480x64xbf16, #tpu.memory_space<vmem_shared>> -> memref<20480x64xbf16, #tpu.memory_space<vmem_shared>>
        tpu.wait_indirect_dma semaphore(%arg16 : memref<!tpu.dma_semaphore, #tpu.memory_space<semaphore_mem>>) src(%arg10 : memref<128x64xbf16, #tpu.memory_space<vmem>>) dst(%dma_wait3A_139 : memref<20480x64xbf16, #tpu.memory_space<vmem_shared>>)
      } else {
      }
      %add3A_85 = arith.constant 1 : i32
      %add3A_86 = arith.addi %mul3A_82, %add3A_85 : i32
      %dma_start3A_87 = arith.constant 0 : i32
      %dma_start3A_88 = tpu.memref_slice %arg7[%add3A_86, %dma_start3A_87] : memref<158x128xi32, #tpu.memory_space<vmem>> -> memref<1x128xi32, #tpu.memory_space<vmem>>
      %dma_start3A_89 = tpu.memref_squeeze %dma_start3A_88 : memref<1x128xi32, #tpu.memory_space<vmem>> -> memref<128xi32, #tpu.memory_space<vmem>>
      %dma_start3A_90 = arith.constant 0 : i32
      %dma_start3A_91 = arith.constant 0 : i32
      %dma_start3A_92 = tpu.memref_slice %arg2[%dma_start3A_90, %dma_start3A_91] : memref<20000x64xbf16, #tpu.memory_space<hbm>> -> memref<20000x64xbf16, #tpu.memory_space<hbm>>
      tpu.enqueue_indirect_dma source(%dma_start3A_92 : memref<20000x64xbf16, #tpu.memory_space<hbm>>) target(%arg10 : memref<128x64xbf16, #tpu.memory_space<vmem>>) offsets(%dma_start3A_89 : memref<128xi32, #tpu.memory_space<vmem>>) semaphore(%arg14 : memref<!tpu.dma_semaphore, #tpu.memory_space<semaphore_mem>>)
      %dma_wait3A_93 = arith.constant 0 : i32
      %dma_wait3A_94 = tpu.memref_slice %arg7[%mul3A_82, %dma_wait3A_93] : memref<158x128xi32, #tpu.memory_space<vmem>> -> memref<1x128xi32, #tpu.memory_space<vmem>>
      %dma_wait3A_95 = tpu.memref_squeeze %dma_wait3A_94 : memref<1x128xi32, #tpu.memory_space<vmem>> -> memref<128xi32, #tpu.memory_space<vmem>>
      %dma_wait3A_96 = arith.constant 0 : i32
      %dma_wait3A_97 = arith.constant 0 : i32
      %dma_wait3A_98 = tpu.memref_slice %arg2[%dma_wait3A_96, %dma_wait3A_97] : memref<20000x64xbf16, #tpu.memory_space<hbm>> -> memref<20000x64xbf16, #tpu.memory_space<hbm>>
      tpu.wait_indirect_dma semaphore(%arg13 : memref<!tpu.dma_semaphore, #tpu.memory_space<semaphore_mem>>) src(%dma_wait3A_98 : memref<20000x64xbf16, #tpu.memory_space<hbm>>) dst(%arg9 : memref<128x64xbf16, #tpu.memory_space<vmem>>)
      %dma_start3A_99 = arith.constant 0 : i32
      %dma_start3A_100 = tpu.memref_slice %arg8[%mul3A_82, %dma_start3A_99] : memref<158x128xi32, #tpu.memory_space<vmem>> -> memref<1x128xi32, #tpu.memory_space<vmem>>
      %dma_start3A_101 = tpu.memref_squeeze %dma_start3A_100 : memref<1x128xi32, #tpu.memory_space<vmem>> -> memref<128xi32, #tpu.memory_space<vmem>>
      %dma_start3A_102 = arith.constant 0 : i32
      %dma_start3A_103 = arith.constant 0 : i32
      %dma_start3A_104 = tpu.memref_slice %arg12[%dma_start3A_102, %dma_start3A_103] : memref<20480x64xbf16, #tpu.memory_space<vmem_shared>> -> memref<20480x64xbf16, #tpu.memory_space<vmem_shared>>
      tpu.enqueue_indirect_dma source(%arg9 : memref<128x64xbf16, #tpu.memory_space<vmem>>) target(%dma_start3A_104 : memref<20480x64xbf16, #tpu.memory_space<vmem_shared>>) offsets(%dma_start3A_101 : memref<128xi32, #tpu.memory_space<vmem>>) semaphore(%arg15 : memref<!tpu.dma_semaphore, #tpu.memory_space<semaphore_mem>>) {add = true}
      %dma_wait3A_105 = arith.constant 0 : i32
      %dma_wait3A_106 = tpu.memref_slice %arg8[%mul3A_82, %dma_wait3A_105] : memref<158x128xi32, #tpu.memory_space<vmem>> -> memref<1x128xi32, #tpu.memory_space<vmem>>
      %dma_wait3A_107 = tpu.memref_squeeze %dma_wait3A_106 : memref<1x128xi32, #tpu.memory_space<vmem>> -> memref<128xi32, #tpu.memory_space<vmem>>
      %dma_wait3A_108 = arith.constant 0 : i32
      %dma_wait3A_109 = arith.constant 0 : i32
      %dma_wait3A_110 = tpu.memref_slice %arg12[%dma_wait3A_108, %dma_wait3A_109] : memref<20480x64xbf16, #tpu.memory_space<vmem_shared>> -> memref<20480x64xbf16, #tpu.memory_space<vmem_shared>>
      tpu.wait_indirect_dma semaphore(%arg15 : memref<!tpu.dma_semaphore, #tpu.memory_space<semaphore_mem>>) src(%arg9 : memref<128x64xbf16, #tpu.memory_space<vmem>>) dst(%dma_wait3A_110 : memref<20480x64xbf16, #tpu.memory_space<vmem_shared>>)
      %add3A_111 = arith.constant 1 : i32
      %add3A_112 = arith.addi %scan3A_80, %add3A_111 : i32
      %lt3A = arith.constant 79 : i32
      %lt3A_113 = arith.cmpi slt, %add3A_112, %lt3A : i32
      %convert_element_type3A_114 = arith.extui %lt3A_113 : i1 to i32
      %cond3A_115 = arith.constant 0 : i32
      %cond3A_116 = arith.cmpi ne, %convert_element_type3A_114, %cond3A_115 : i32
      scf.if %cond3A_116 {
        %add3A_133 = arith.constant 2 : i32
        %add3A_134 = arith.addi %mul3A_82, %add3A_133 : i32
        %dma_start3A_135 = arith.constant 0 : i32
        %dma_start3A_136 = tpu.memref_slice %arg7[%add3A_134, %dma_start3A_135] : memref<158x128xi32, #tpu.memory_space<vmem>> -> memref<1x128xi32, #tpu.memory_space<vmem>>
        %dma_start3A_137 = tpu.memref_squeeze %dma_start3A_136 : memref<1x128xi32, #tpu.memory_space<vmem>> -> memref<128xi32, #tpu.memory_space<vmem>>
        %dma_start3A_138 = arith.constant 0 : i32
        %dma_start3A_139 = arith.constant 0 : i32
        %dma_start3A_140 = tpu.memref_slice %arg2[%dma_start3A_138, %dma_start3A_139] : memref<20000x64xbf16, #tpu.memory_space<hbm>> -> memref<20000x64xbf16, #tpu.memory_space<hbm>>
        tpu.enqueue_indirect_dma source(%dma_start3A_140 : memref<20000x64xbf16, #tpu.memory_space<hbm>>) target(%arg9 : memref<128x64xbf16, #tpu.memory_space<vmem>>) offsets(%dma_start3A_137 : memref<128xi32, #tpu.memory_space<vmem>>) semaphore(%arg13 : memref<!tpu.dma_semaphore, #tpu.memory_space<semaphore_mem>>)
      } else {
      }
      %add3A_117 = arith.constant 1 : i32
      %add3A_118 = arith.addi %mul3A_82, %add3A_117 : i32
      %dma_wait3A_119 = arith.constant 0 : i32
      %dma_wait3A_120 = tpu.memref_slice %arg7[%add3A_118, %dma_wait3A_119] : memref<158x128xi32, #tpu.memory_space<vmem>> -> memref<1x128xi32, #tpu.memory_space<vmem>>
      %dma_wait3A_121 = tpu.memref_squeeze %dma_wait3A_120 : memref<1x128xi32, #tpu.memory_space<vmem>> -> memref<128xi32, #tpu.memory_space<vmem>>
      %dma_wait3A_122 = arith.constant 0 : i32
      %dma_wait3A_123 = arith.constant 0 : i32
      %dma_wait3A_124 = tpu.memref_slice %arg2[%dma_wait3A_122, %dma_wait3A_123] : memref<20000x64xbf16, #tpu.memory_space<hbm>> -> memref<20000x64xbf16, #tpu.memory_space<hbm>>
      tpu.wait_indirect_dma semaphore(%arg14 : memref<!tpu.dma_semaphore, #tpu.memory_space<semaphore_mem>>) src(%dma_wait3A_124 : memref<20000x64xbf16, #tpu.memory_space<hbm>>) dst(%arg10 : memref<128x64xbf16, #tpu.memory_space<vmem>>)
      %add3A_125 = arith.constant 1 : i32
      %add3A_126 = arith.addi %mul3A_82, %add3A_125 : i32
      %dma_start3A_127 = arith.constant 0 : i32
      %dma_start3A_128 = tpu.memref_slice %arg8[%add3A_126, %dma_start3A_127] : memref<158x128xi32, #tpu.memory_space<vmem>> -> memref<1x128xi32, #tpu.memory_space<vmem>>
      %dma_start3A_129 = tpu.memref_squeeze %dma_start3A_128 : memref<1x128xi32, #tpu.memory_space<vmem>> -> memref<128xi32, #tpu.memory_space<vmem>>
      %dma_start3A_130 = arith.constant 0 : i32
      %dma_start3A_131 = arith.constant 0 : i32
      %dma_start3A_132 = tpu.memref_slice %arg12[%dma_start3A_130, %dma_start3A_131] : memref<20480x64xbf16, #tpu.memory_space<vmem_shared>> -> memref<20480x64xbf16, #tpu.memory_space<vmem_shared>>
      tpu.enqueue_indirect_dma source(%arg10 : memref<128x64xbf16, #tpu.memory_space<vmem>>) target(%dma_start3A_132 : memref<20480x64xbf16, #tpu.memory_space<vmem_shared>>) offsets(%dma_start3A_129 : memref<128xi32, #tpu.memory_space<vmem>>) semaphore(%arg16 : memref<!tpu.dma_semaphore, #tpu.memory_space<semaphore_mem>>) {add = true}
    }
    %scan3A_68 = arith.constant 79 : i32
    %dma_wait3A = arith.constant 157 : i32
    %dma_wait3A_69 = arith.constant 0 : i32
    %dma_wait3A_70 = tpu.memref_slice %arg8[%dma_wait3A, %dma_wait3A_69] : memref<158x128xi32, #tpu.memory_space<vmem>> -> memref<1x128xi32, #tpu.memory_space<vmem>>
    %dma_wait3A_71 = tpu.memref_squeeze %dma_wait3A_70 : memref<1x128xi32, #tpu.memory_space<vmem>> -> memref<128xi32, #tpu.memory_space<vmem>>
    %dma_wait3A_72 = arith.constant 0 : i32
    %dma_wait3A_73 = arith.constant 0 : i32
    %dma_wait3A_74 = tpu.memref_slice %arg12[%dma_wait3A_72, %dma_wait3A_73] : memref<20480x64xbf16, #tpu.memory_space<vmem_shared>> -> memref<20480x64xbf16, #tpu.memory_space<vmem_shared>>
    tpu.wait_indirect_dma semaphore(%arg16 : memref<!tpu.dma_semaphore, #tpu.memory_space<semaphore_mem>>) src(%arg10 : memref<128x64xbf16, #tpu.memory_space<vmem>>) dst(%dma_wait3A_74 : memref<20480x64xbf16, #tpu.memory_space<vmem_shared>>)
    %barrier3A_75 = arith.constant 0 : index
    tpu.barrier barrier_id(%barrier3A_75)
    %mul3A_76 = arith.constant 1280 : i32
    %mul3A_77 = arith.muli %arg1, %mul3A_76 : i32
    %mul3A_78 = arith.constant 1280 : i32
    %mul3A_79 = arith.muli %arg1, %mul3A_78 : i32
    "tpu.region"() ({
      %run_scoped3A = tpu.sem_alloc : memref<!tpu.dma_semaphore, #tpu.memory_space<semaphore_mem>>
      %dma_start3A_80 = arith.constant 0 : i32
      %dma_start3A_81 = tpu.memref_slice %arg6[%arg0, %mul3A_79, %dma_start3A_80] : memref<2x20480x64xbf16, #tpu.memory_space<hbm>> -> memref<1x1280x64xbf16, #tpu.memory_space<hbm>>
      %dma_start3A_82 = tpu.memref_squeeze %dma_start3A_81 : memref<1x1280x64xbf16, #tpu.memory_space<hbm>> -> memref<1280x64xbf16, #tpu.memory_space<hbm>>
      %dma_start3A_83 = arith.constant 0 : i32
      %dma_start3A_84 = tpu.memref_slice %arg12[%mul3A_77, %dma_start3A_83] : memref<20480x64xbf16, #tpu.memory_space<vmem_shared>> -> memref<1280x64xbf16, #tpu.memory_space<vmem_shared>>
      tpu.enqueue_dma source(%dma_start3A_84 : memref<1280x64xbf16, #tpu.memory_space<vmem_shared>>) target(%dma_start3A_82 : memref<1280x64xbf16, #tpu.memory_space<hbm>>) target_semaphore(%run_scoped3A : memref<!tpu.dma_semaphore, #tpu.memory_space<semaphore_mem>>)
      %dma_wait3A_85 = arith.constant 0 : i32
      %dma_wait3A_86 = tpu.memref_slice %arg6[%arg0, %mul3A_79, %dma_wait3A_85] : memref<2x20480x64xbf16, #tpu.memory_space<hbm>> -> memref<1x1280x64xbf16, #tpu.memory_space<hbm>>
      %dma_wait3A_87 = tpu.memref_squeeze %dma_wait3A_86 : memref<1x1280x64xbf16, #tpu.memory_space<hbm>> -> memref<1280x64xbf16, #tpu.memory_space<hbm>>
      %dma_wait3A_88 = arith.constant 0 : i32
      %dma_wait3A_89 = tpu.memref_slice %arg12[%mul3A_77, %dma_wait3A_88] : memref<20480x64xbf16, #tpu.memory_space<vmem_shared>> -> memref<1280x64xbf16, #tpu.memory_space<vmem_shared>>
      tpu.wait_dma2 semaphore(%run_scoped3A : memref<!tpu.dma_semaphore, #tpu.memory_space<semaphore_mem>>) src(%dma_wait3A_89 : memref<1280x64xbf16, #tpu.memory_space<vmem_shared>>) dst(%dma_wait3A_87 : memref<1280x64xbf16, #tpu.memory_space<hbm>>)
      tpu.yield
    }) : () -> ()
    return
  }
}

#map = affine_map<(d0, d1) -> (0, 0)>
#map1 = affine_map<(d0, d1) -> (0, 0, 0, 0)>
#map2 = affine_map<(d0, d1) -> (0, 0, 0)>
module attributes {stable_mosaic.version = 14 : i64} {
  func.func @body(%arg0: i32, %arg1: i32, %arg2: memref<20000x64xbf16, #tpu.memory_space<hbm>>, %arg3: memref<2x16x158x128xi32, #tpu.memory_space<hbm>>, %arg4: memref<16x158x128xi32, #tpu.memory_space<hbm>>, %arg5: memref<128x64xbf16, #tpu.memory_space<hbm>>, %arg6: memref<2x20480x64xbf16, #tpu.memory_space<hbm>>, %arg7: memref<158x128xi32, #tpu.memory_space<vmem>>, %arg8: memref<158x128xi32, #tpu.memory_space<vmem>>, %arg9: memref<128x64xbf16, #tpu.memory_space<vmem>>, %arg10: memref<128x64xbf16, #tpu.memory_space<vmem>>, %arg11: memref<128x64xbf16, #tpu.memory_space<vmem>>, %arg12: memref<20480x64xbf16, #tpu.memory_space<vmem_shared>>, %arg13: memref<!tpu.dma_semaphore, #tpu.memory_space<semaphore_mem>>, %arg14: memref<!tpu.dma_semaphore, #tpu.memory_space<semaphore_mem>>, %arg15: memref<!tpu.dma_semaphore, #tpu.memory_space<semaphore_mem>>, %arg16: memref<!tpu.dma_semaphore, #tpu.memory_space<semaphore_mem>>) attributes {dimension_semantics = [#tpu.dimension_semantics<core_parallel>, #tpu.dimension_semantics<subcore_parallel>], iteration_bounds = array<i64: 2, 16>, scalar_prefetch = 0 : i64, scratch_operands = 10 : i64, tpu.core_type = #tpu.core_type<sc_vector_subcore>, window_params = [{transform_indices = #map}, {transform_indices = #map1}, {transform_indices = #map2}, {transform_indices = #map}, {transform_indices = #map2}]} {
    "tpu.region"() ({
      %run_scoped3A = tpu.sem_alloc : memref<!tpu.dma_semaphore, #tpu.memory_space<semaphore_mem>>
      tpu.enqueue_dma source(%arg5 : memref<128x64xbf16, #tpu.memory_space<hbm>>) target(%arg11 : memref<128x64xbf16, #tpu.memory_space<vmem>>) target_semaphore(%run_scoped3A : memref<!tpu.dma_semaphore, #tpu.memory_space<semaphore_mem>>)
      tpu.wait_dma2 semaphore(%run_scoped3A : memref<!tpu.dma_semaphore, #tpu.memory_space<semaphore_mem>>) src(%arg5 : memref<128x64xbf16, #tpu.memory_space<hbm>>) dst(%arg11 : memref<128x64xbf16, #tpu.memory_space<vmem>>)
      tpu.yield
    }) : () -> ()
    %mul3A = arith.constant 10 : i32
    %mul3A_0 = arith.muli %arg1, %mul3A : i32
    %add3A = arith.constant 0 : i32
    %add3A_1 = arith.addi %mul3A_0, %add3A : i32
    %mul3A_2 = arith.constant 128 : i32
    %mul3A_3 = arith.muli %add3A_1, %mul3A_2 : i32
    "tpu.region"() ({
      %run_scoped3A = tpu.sem_alloc : memref<!tpu.dma_semaphore, #tpu.memory_space<semaphore_mem>>
      %dma_start3A_80 = arith.constant 0 : i32
      %dma_start3A_81 = tpu.memref_slice %arg12[%mul3A_3, %dma_start3A_80] : memref<20480x64xbf16, #tpu.memory_space<vmem_shared>> -> memref<128x64xbf16, #tpu.memory_space<vmem_shared>>
      %dma_start3A_82 = arith.constant 0 : i32
      %dma_start3A_83 = tpu.memref_slice %arg12[%mul3A_3, %dma_start3A_82] : memref<20480x64xbf16, #tpu.memory_space<vmem_shared>> -> memref<128x64xbf16, #tpu.memory_space<vmem_shared>>
      tpu.enqueue_dma source(%arg11 : memref<128x64xbf16, #tpu.memory_space<vmem>>) target(%dma_start3A_83 : memref<128x64xbf16, #tpu.memory_space<vmem_shared>>) target_semaphore(%run_scoped3A : memref<!tpu.dma_semaphore, #tpu.memory_space<semaphore_mem>>)
      %dma_wait3A_84 = arith.constant 0 : i32
      %dma_wait3A_85 = tpu.memref_slice %arg12[%mul3A_3, %dma_wait3A_84] : memref<20480x64xbf16, #tpu.memory_space<vmem_shared>> -> memref<128x64xbf16, #tpu.memory_space<vmem_shared>>
      %dma_wait3A_86 = arith.constant 0 : i32
      %dma_wait3A_87 = tpu.memref_slice %arg12[%mul3A_3, %dma_wait3A_86] : memref<20480x64xbf16, #tpu.memory_space<vmem_shared>> -> memref<128x64xbf16, #tpu.memory_space<vmem_shared>>
      tpu.wait_dma2 semaphore(%run_scoped3A : memref<!tpu.dma_semaphore, #tpu.memory_space<semaphore_mem>>) src(%arg11 : memref<128x64xbf16, #tpu.memory_space<vmem>>) dst(%dma_wait3A_87 : memref<128x64xbf16, #tpu.memory_space<vmem_shared>>)
      tpu.yield
    }) : () -> ()
    %mul3A_4 = arith.constant 10 : i32
    %mul3A_5 = arith.muli %arg1, %mul3A_4 : i32
    %add3A_6 = arith.constant 1 : i32
    %add3A_7 = arith.addi %mul3A_5, %add3A_6 : i32
    %mul3A_8 = arith.constant 128 : i32
    %mul3A_9 = arith.muli %add3A_7, %mul3A_8 : i32
    "tpu.region"() ({
      %run_scoped3A = tpu.sem_alloc : memref<!tpu.dma_semaphore, #tpu.memory_space<semaphore_mem>>
      %dma_start3A_80 = arith.constant 0 : i32
      %dma_start3A_81 = tpu.memref_slice %arg12[%mul3A_9, %dma_start3A_80] : memref<20480x64xbf16, #tpu.memory_space<vmem_shared>> -> memref<128x64xbf16, #tpu.memory_space<vmem_shared>>
      %dma_start3A_82 = arith.constant 0 : i32
      %dma_start3A_83 = tpu.memref_slice %arg12[%mul3A_9, %dma_start3A_82] : memref<20480x64xbf16, #tpu.memory_space<vmem_shared>> -> memref<128x64xbf16, #tpu.memory_space<vmem_shared>>
      tpu.enqueue_dma source(%arg11 : memref<128x64xbf16, #tpu.memory_space<vmem>>) target(%dma_start3A_83 : memref<128x64xbf16, #tpu.memory_space<vmem_shared>>) target_semaphore(%run_scoped3A : memref<!tpu.dma_semaphore, #tpu.memory_space<semaphore_mem>>)
      %dma_wait3A_84 = arith.constant 0 : i32
      %dma_wait3A_85 = tpu.memref_slice %arg12[%mul3A_9, %dma_wait3A_84] : memref<20480x64xbf16, #tpu.memory_space<vmem_shared>> -> memref<128x64xbf16, #tpu.memory_space<vmem_shared>>
      %dma_wait3A_86 = arith.constant 0 : i32
      %dma_wait3A_87 = tpu.memref_slice %arg12[%mul3A_9, %dma_wait3A_86] : memref<20480x64xbf16, #tpu.memory_space<vmem_shared>> -> memref<128x64xbf16, #tpu.memory_space<vmem_shared>>
      tpu.wait_dma2 semaphore(%run_scoped3A : memref<!tpu.dma_semaphore, #tpu.memory_space<semaphore_mem>>) src(%arg11 : memref<128x64xbf16, #tpu.memory_space<vmem>>) dst(%dma_wait3A_87 : memref<128x64xbf16, #tpu.memory_space<vmem_shared>>)
      tpu.yield
    }) : () -> ()
    %mul3A_10 = arith.constant 10 : i32
    %mul3A_11 = arith.muli %arg1, %mul3A_10 : i32
    %add3A_12 = arith.constant 2 : i32
    %add3A_13 = arith.addi %mul3A_11, %add3A_12 : i32
    %mul3A_14 = arith.constant 128 : i32
    %mul3A_15 = arith.muli %add3A_13, %mul3A_14 : i32
    "tpu.region"() ({
      %run_scoped3A = tpu.sem_alloc : memref<!tpu.dma_semaphore, #tpu.memory_space<semaphore_mem>>
      %dma_start3A_80 = arith.constant 0 : i32
      %dma_start3A_81 = tpu.memref_slice %arg12[%mul3A_15, %dma_start3A_80] : memref<20480x64xbf16, #tpu.memory_space<vmem_shared>> -> memref<128x64xbf16, #tpu.memory_space<vmem_shared>>
      %dma_start3A_82 = arith.constant 0 : i32
      %dma_start3A_83 = tpu.memref_slice %arg12[%mul3A_15, %dma_start3A_82] : memref<20480x64xbf16, #tpu.memory_space<vmem_shared>> -> memref<128x64xbf16, #tpu.memory_space<vmem_shared>>
      tpu.enqueue_dma source(%arg11 : memref<128x64xbf16, #tpu.memory_space<vmem>>) target(%dma_start3A_83 : memref<128x64xbf16, #tpu.memory_space<vmem_shared>>) target_semaphore(%run_scoped3A : memref<!tpu.dma_semaphore, #tpu.memory_space<semaphore_mem>>)
      %dma_wait3A_84 = arith.constant 0 : i32
      %dma_wait3A_85 = tpu.memref_slice %arg12[%mul3A_15, %dma_wait3A_84] : memref<20480x64xbf16, #tpu.memory_space<vmem_shared>> -> memref<128x64xbf16, #tpu.memory_space<vmem_shared>>
      %dma_wait3A_86 = arith.constant 0 : i32
      %dma_wait3A_87 = tpu.memref_slice %arg12[%mul3A_15, %dma_wait3A_86] : memref<20480x64xbf16, #tpu.memory_space<vmem_shared>> -> memref<128x64xbf16, #tpu.memory_space<vmem_shared>>
      tpu.wait_dma2 semaphore(%run_scoped3A : memref<!tpu.dma_semaphore, #tpu.memory_space<semaphore_mem>>) src(%arg11 : memref<128x64xbf16, #tpu.memory_space<vmem>>) dst(%dma_wait3A_87 : memref<128x64xbf16, #tpu.memory_space<vmem_shared>>)
      tpu.yield
    }) : () -> ()
    %mul3A_16 = arith.constant 10 : i32
    %mul3A_17 = arith.muli %arg1, %mul3A_16 : i32
    %add3A_18 = arith.constant 3 : i32
    %add3A_19 = arith.addi %mul3A_17, %add3A_18 : i32
    %mul3A_20 = arith.constant 128 : i32
    %mul3A_21 = arith.muli %add3A_19, %mul3A_20 : i32
    "tpu.region"() ({
      %run_scoped3A = tpu.sem_alloc : memref<!tpu.dma_semaphore, #tpu.memory_space<semaphore_mem>>
      %dma_start3A_80 = arith.constant 0 : i32
      %dma_start3A_81 = tpu.memref_slice %arg12[%mul3A_21, %dma_start3A_80] : memref<20480x64xbf16, #tpu.memory_space<vmem_shared>> -> memref<128x64xbf16, #tpu.memory_space<vmem_shared>>
      %dma_start3A_82 = arith.constant 0 : i32
      %dma_start3A_83 = tpu.memref_slice %arg12[%mul3A_21, %dma_start3A_82] : memref<20480x64xbf16, #tpu.memory_space<vmem_shared>> -> memref<128x64xbf16, #tpu.memory_space<vmem_shared>>
      tpu.enqueue_dma source(%arg11 : memref<128x64xbf16, #tpu.memory_space<vmem>>) target(%dma_start3A_83 : memref<128x64xbf16, #tpu.memory_space<vmem_shared>>) target_semaphore(%run_scoped3A : memref<!tpu.dma_semaphore, #tpu.memory_space<semaphore_mem>>)
      %dma_wait3A_84 = arith.constant 0 : i32
      %dma_wait3A_85 = tpu.memref_slice %arg12[%mul3A_21, %dma_wait3A_84] : memref<20480x64xbf16, #tpu.memory_space<vmem_shared>> -> memref<128x64xbf16, #tpu.memory_space<vmem_shared>>
      %dma_wait3A_86 = arith.constant 0 : i32
      %dma_wait3A_87 = tpu.memref_slice %arg12[%mul3A_21, %dma_wait3A_86] : memref<20480x64xbf16, #tpu.memory_space<vmem_shared>> -> memref<128x64xbf16, #tpu.memory_space<vmem_shared>>
      tpu.wait_dma2 semaphore(%run_scoped3A : memref<!tpu.dma_semaphore, #tpu.memory_space<semaphore_mem>>) src(%arg11 : memref<128x64xbf16, #tpu.memory_space<vmem>>) dst(%dma_wait3A_87 : memref<128x64xbf16, #tpu.memory_space<vmem_shared>>)
      tpu.yield
    }) : () -> ()
    %mul3A_22 = arith.constant 10 : i32
    %mul3A_23 = arith.muli %arg1, %mul3A_22 : i32
    %add3A_24 = arith.constant 4 : i32
    %add3A_25 = arith.addi %mul3A_23, %add3A_24 : i32
    %mul3A_26 = arith.constant 128 : i32
    %mul3A_27 = arith.muli %add3A_25, %mul3A_26 : i32
    "tpu.region"() ({
      %run_scoped3A = tpu.sem_alloc : memref<!tpu.dma_semaphore, #tpu.memory_space<semaphore_mem>>
      %dma_start3A_80 = arith.constant 0 : i32
      %dma_start3A_81 = tpu.memref_slice %arg12[%mul3A_27, %dma_start3A_80] : memref<20480x64xbf16, #tpu.memory_space<vmem_shared>> -> memref<128x64xbf16, #tpu.memory_space<vmem_shared>>
      %dma_start3A_82 = arith.constant 0 : i32
      %dma_start3A_83 = tpu.memref_slice %arg12[%mul3A_27, %dma_start3A_82] : memref<20480x64xbf16, #tpu.memory_space<vmem_shared>> -> memref<128x64xbf16, #tpu.memory_space<vmem_shared>>
      tpu.enqueue_dma source(%arg11 : memref<128x64xbf16, #tpu.memory_space<vmem>>) target(%dma_start3A_83 : memref<128x64xbf16, #tpu.memory_space<vmem_shared>>) target_semaphore(%run_scoped3A : memref<!tpu.dma_semaphore, #tpu.memory_space<semaphore_mem>>)
      %dma_wait3A_84 = arith.constant 0 : i32
      %dma_wait3A_85 = tpu.memref_slice %arg12[%mul3A_27, %dma_wait3A_84] : memref<20480x64xbf16, #tpu.memory_space<vmem_shared>> -> memref<128x64xbf16, #tpu.memory_space<vmem_shared>>
      %dma_wait3A_86 = arith.constant 0 : i32
      %dma_wait3A_87 = tpu.memref_slice %arg12[%mul3A_27, %dma_wait3A_86] : memref<20480x64xbf16, #tpu.memory_space<vmem_shared>> -> memref<128x64xbf16, #tpu.memory_space<vmem_shared>>
      tpu.wait_dma2 semaphore(%run_scoped3A : memref<!tpu.dma_semaphore, #tpu.memory_space<semaphore_mem>>) src(%arg11 : memref<128x64xbf16, #tpu.memory_space<vmem>>) dst(%dma_wait3A_87 : memref<128x64xbf16, #tpu.memory_space<vmem_shared>>)
      tpu.yield
    }) : () -> ()
    %mul3A_28 = arith.constant 10 : i32
    %mul3A_29 = arith.muli %arg1, %mul3A_28 : i32
    %add3A_30 = arith.constant 5 : i32
    %add3A_31 = arith.addi %mul3A_29, %add3A_30 : i32
    %mul3A_32 = arith.constant 128 : i32
    %mul3A_33 = arith.muli %add3A_31, %mul3A_32 : i32
    "tpu.region"() ({
      %run_scoped3A = tpu.sem_alloc : memref<!tpu.dma_semaphore, #tpu.memory_space<semaphore_mem>>
      %dma_start3A_80 = arith.constant 0 : i32
      %dma_start3A_81 = tpu.memref_slice %arg12[%mul3A_33, %dma_start3A_80] : memref<20480x64xbf16, #tpu.memory_space<vmem_shared>> -> memref<128x64xbf16, #tpu.memory_space<vmem_shared>>
      %dma_start3A_82 = arith.constant 0 : i32
      %dma_start3A_83 = tpu.memref_slice %arg12[%mul3A_33, %dma_start3A_82] : memref<20480x64xbf16, #tpu.memory_space<vmem_shared>> -> memref<128x64xbf16, #tpu.memory_space<vmem_shared>>
      tpu.enqueue_dma source(%arg11 : memref<128x64xbf16, #tpu.memory_space<vmem>>) target(%dma_start3A_83 : memref<128x64xbf16, #tpu.memory_space<vmem_shared>>) target_semaphore(%run_scoped3A : memref<!tpu.dma_semaphore, #tpu.memory_space<semaphore_mem>>)
      %dma_wait3A_84 = arith.constant 0 : i32
      %dma_wait3A_85 = tpu.memref_slice %arg12[%mul3A_33, %dma_wait3A_84] : memref<20480x64xbf16, #tpu.memory_space<vmem_shared>> -> memref<128x64xbf16, #tpu.memory_space<vmem_shared>>
      %dma_wait3A_86 = arith.constant 0 : i32
      %dma_wait3A_87 = tpu.memref_slice %arg12[%mul3A_33, %dma_wait3A_86] : memref<20480x64xbf16, #tpu.memory_space<vmem_shared>> -> memref<128x64xbf16, #tpu.memory_space<vmem_shared>>
      tpu.wait_dma2 semaphore(%run_scoped3A : memref<!tpu.dma_semaphore, #tpu.memory_space<semaphore_mem>>) src(%arg11 : memref<128x64xbf16, #tpu.memory_space<vmem>>) dst(%dma_wait3A_87 : memref<128x64xbf16, #tpu.memory_space<vmem_shared>>)
      tpu.yield
    }) : () -> ()
    %mul3A_34 = arith.constant 10 : i32
    %mul3A_35 = arith.muli %arg1, %mul3A_34 : i32
    %add3A_36 = arith.constant 6 : i32
    %add3A_37 = arith.addi %mul3A_35, %add3A_36 : i32
    %mul3A_38 = arith.constant 128 : i32
    %mul3A_39 = arith.muli %add3A_37, %mul3A_38 : i32
    "tpu.region"() ({
      %run_scoped3A = tpu.sem_alloc : memref<!tpu.dma_semaphore, #tpu.memory_space<semaphore_mem>>
      %dma_start3A_80 = arith.constant 0 : i32
      %dma_start3A_81 = tpu.memref_slice %arg12[%mul3A_39, %dma_start3A_80] : memref<20480x64xbf16, #tpu.memory_space<vmem_shared>> -> memref<128x64xbf16, #tpu.memory_space<vmem_shared>>
      %dma_start3A_82 = arith.constant 0 : i32
      %dma_start3A_83 = tpu.memref_slice %arg12[%mul3A_39, %dma_start3A_82] : memref<20480x64xbf16, #tpu.memory_space<vmem_shared>> -> memref<128x64xbf16, #tpu.memory_space<vmem_shared>>
      tpu.enqueue_dma source(%arg11 : memref<128x64xbf16, #tpu.memory_space<vmem>>) target(%dma_start3A_83 : memref<128x64xbf16, #tpu.memory_space<vmem_shared>>) target_semaphore(%run_scoped3A : memref<!tpu.dma_semaphore, #tpu.memory_space<semaphore_mem>>)
      %dma_wait3A_84 = arith.constant 0 : i32
      %dma_wait3A_85 = tpu.memref_slice %arg12[%mul3A_39, %dma_wait3A_84] : memref<20480x64xbf16, #tpu.memory_space<vmem_shared>> -> memref<128x64xbf16, #tpu.memory_space<vmem_shared>>
      %dma_wait3A_86 = arith.constant 0 : i32
      %dma_wait3A_87 = tpu.memref_slice %arg12[%mul3A_39, %dma_wait3A_86] : memref<20480x64xbf16, #tpu.memory_space<vmem_shared>> -> memref<128x64xbf16, #tpu.memory_space<vmem_shared>>
      tpu.wait_dma2 semaphore(%run_scoped3A : memref<!tpu.dma_semaphore, #tpu.memory_space<semaphore_mem>>) src(%arg11 : memref<128x64xbf16, #tpu.memory_space<vmem>>) dst(%dma_wait3A_87 : memref<128x64xbf16, #tpu.memory_space<vmem_shared>>)
      tpu.yield
    }) : () -> ()
    %mul3A_40 = arith.constant 10 : i32
    %mul3A_41 = arith.muli %arg1, %mul3A_40 : i32
    %add3A_42 = arith.constant 7 : i32
    %add3A_43 = arith.addi %mul3A_41, %add3A_42 : i32
    %mul3A_44 = arith.constant 128 : i32
    %mul3A_45 = arith.muli %add3A_43, %mul3A_44 : i32
    "tpu.region"() ({
      %run_scoped3A = tpu.sem_alloc : memref<!tpu.dma_semaphore, #tpu.memory_space<semaphore_mem>>
      %dma_start3A_80 = arith.constant 0 : i32
      %dma_start3A_81 = tpu.memref_slice %arg12[%mul3A_45, %dma_start3A_80] : memref<20480x64xbf16, #tpu.memory_space<vmem_shared>> -> memref<128x64xbf16, #tpu.memory_space<vmem_shared>>
      %dma_start3A_82 = arith.constant 0 : i32
      %dma_start3A_83 = tpu.memref_slice %arg12[%mul3A_45, %dma_start3A_82] : memref<20480x64xbf16, #tpu.memory_space<vmem_shared>> -> memref<128x64xbf16, #tpu.memory_space<vmem_shared>>
      tpu.enqueue_dma source(%arg11 : memref<128x64xbf16, #tpu.memory_space<vmem>>) target(%dma_start3A_83 : memref<128x64xbf16, #tpu.memory_space<vmem_shared>>) target_semaphore(%run_scoped3A : memref<!tpu.dma_semaphore, #tpu.memory_space<semaphore_mem>>)
      %dma_wait3A_84 = arith.constant 0 : i32
      %dma_wait3A_85 = tpu.memref_slice %arg12[%mul3A_45, %dma_wait3A_84] : memref<20480x64xbf16, #tpu.memory_space<vmem_shared>> -> memref<128x64xbf16, #tpu.memory_space<vmem_shared>>
      %dma_wait3A_86 = arith.constant 0 : i32
      %dma_wait3A_87 = tpu.memref_slice %arg12[%mul3A_45, %dma_wait3A_86] : memref<20480x64xbf16, #tpu.memory_space<vmem_shared>> -> memref<128x64xbf16, #tpu.memory_space<vmem_shared>>
      tpu.wait_dma2 semaphore(%run_scoped3A : memref<!tpu.dma_semaphore, #tpu.memory_space<semaphore_mem>>) src(%arg11 : memref<128x64xbf16, #tpu.memory_space<vmem>>) dst(%dma_wait3A_87 : memref<128x64xbf16, #tpu.memory_space<vmem_shared>>)
      tpu.yield
    }) : () -> ()
    %mul3A_46 = arith.constant 10 : i32
    %mul3A_47 = arith.muli %arg1, %mul3A_46 : i32
    %add3A_48 = arith.constant 8 : i32
    %add3A_49 = arith.addi %mul3A_47, %add3A_48 : i32
    %mul3A_50 = arith.constant 128 : i32
    %mul3A_51 = arith.muli %add3A_49, %mul3A_50 : i32
    "tpu.region"() ({
      %run_scoped3A = tpu.sem_alloc : memref<!tpu.dma_semaphore, #tpu.memory_space<semaphore_mem>>
      %dma_start3A_80 = arith.constant 0 : i32
      %dma_start3A_81 = tpu.memref_slice %arg12[%mul3A_51, %dma_start3A_80] : memref<20480x64xbf16, #tpu.memory_space<vmem_shared>> -> memref<128x64xbf16, #tpu.memory_space<vmem_shared>>
      %dma_start3A_82 = arith.constant 0 : i32
      %dma_start3A_83 = tpu.memref_slice %arg12[%mul3A_51, %dma_start3A_82] : memref<20480x64xbf16, #tpu.memory_space<vmem_shared>> -> memref<128x64xbf16, #tpu.memory_space<vmem_shared>>
      tpu.enqueue_dma source(%arg11 : memref<128x64xbf16, #tpu.memory_space<vmem>>) target(%dma_start3A_83 : memref<128x64xbf16, #tpu.memory_space<vmem_shared>>) target_semaphore(%run_scoped3A : memref<!tpu.dma_semaphore, #tpu.memory_space<semaphore_mem>>)
      %dma_wait3A_84 = arith.constant 0 : i32
      %dma_wait3A_85 = tpu.memref_slice %arg12[%mul3A_51, %dma_wait3A_84] : memref<20480x64xbf16, #tpu.memory_space<vmem_shared>> -> memref<128x64xbf16, #tpu.memory_space<vmem_shared>>
      %dma_wait3A_86 = arith.constant 0 : i32
      %dma_wait3A_87 = tpu.memref_slice %arg12[%mul3A_51, %dma_wait3A_86] : memref<20480x64xbf16, #tpu.memory_space<vmem_shared>> -> memref<128x64xbf16, #tpu.memory_space<vmem_shared>>
      tpu.wait_dma2 semaphore(%run_scoped3A : memref<!tpu.dma_semaphore, #tpu.memory_space<semaphore_mem>>) src(%arg11 : memref<128x64xbf16, #tpu.memory_space<vmem>>) dst(%dma_wait3A_87 : memref<128x64xbf16, #tpu.memory_space<vmem_shared>>)
      tpu.yield
    }) : () -> ()
    %mul3A_52 = arith.constant 10 : i32
    %mul3A_53 = arith.muli %arg1, %mul3A_52 : i32
    %add3A_54 = arith.constant 9 : i32
    %add3A_55 = arith.addi %mul3A_53, %add3A_54 : i32
    %mul3A_56 = arith.constant 128 : i32
    %mul3A_57 = arith.muli %add3A_55, %mul3A_56 : i32
    "tpu.region"() ({
      %run_scoped3A = tpu.sem_alloc : memref<!tpu.dma_semaphore, #tpu.memory_space<semaphore_mem>>
      %dma_start3A_80 = arith.constant 0 : i32
      %dma_start3A_81 = tpu.memref_slice %arg12[%mul3A_57, %dma_start3A_80] : memref<20480x64xbf16, #tpu.memory_space<vmem_shared>> -> memref<128x64xbf16, #tpu.memory_space<vmem_shared>>
      %dma_start3A_82 = arith.constant 0 : i32
      %dma_start3A_83 = tpu.memref_slice %arg12[%mul3A_57, %dma_start3A_82] : memref<20480x64xbf16, #tpu.memory_space<vmem_shared>> -> memref<128x64xbf16, #tpu.memory_space<vmem_shared>>
      tpu.enqueue_dma source(%arg11 : memref<128x64xbf16, #tpu.memory_space<vmem>>) target(%dma_start3A_83 : memref<128x64xbf16, #tpu.memory_space<vmem_shared>>) target_semaphore(%run_scoped3A : memref<!tpu.dma_semaphore, #tpu.memory_space<semaphore_mem>>)
      %dma_wait3A_84 = arith.constant 0 : i32
      %dma_wait3A_85 = tpu.memref_slice %arg12[%mul3A_57, %dma_wait3A_84] : memref<20480x64xbf16, #tpu.memory_space<vmem_shared>> -> memref<128x64xbf16, #tpu.memory_space<vmem_shared>>
      %dma_wait3A_86 = arith.constant 0 : i32
      %dma_wait3A_87 = tpu.memref_slice %arg12[%mul3A_57, %dma_wait3A_86] : memref<20480x64xbf16, #tpu.memory_space<vmem_shared>> -> memref<128x64xbf16, #tpu.memory_space<vmem_shared>>
      tpu.wait_dma2 semaphore(%run_scoped3A : memref<!tpu.dma_semaphore, #tpu.memory_space<semaphore_mem>>) src(%arg11 : memref<128x64xbf16, #tpu.memory_space<vmem>>) dst(%dma_wait3A_87 : memref<128x64xbf16, #tpu.memory_space<vmem_shared>>)
      tpu.yield
    }) : () -> ()
    %barrier3A = arith.constant 0 : index
    tpu.barrier barrier_id(%barrier3A)
    "tpu.region"() ({
      %run_scoped3A = tpu.sem_alloc : memref<!tpu.dma_semaphore, #tpu.memory_space<semaphore_mem>>
      %dma_start3A_80 = arith.constant 0 : i32
      %dma_start3A_81 = arith.constant 0 : i32
      %dma_start3A_82 = tpu.memref_slice %arg3[%arg0, %arg1, %dma_start3A_80, %dma_start3A_81] : memref<2x16x158x128xi32, #tpu.memory_space<hbm>> -> memref<1x1x158x128xi32, #tpu.memory_space<hbm>>
      %dma_start3A_83 = tpu.memref_squeeze %dma_start3A_82 : memref<1x1x158x128xi32, #tpu.memory_space<hbm>> -> memref<158x128xi32, #tpu.memory_space<hbm>>
      %dma_start3A_84 = arith.constant 0 : i32
      %dma_start3A_85 = arith.constant 0 : i32
      %dma_start3A_86 = tpu.memref_slice %arg3[%arg0, %arg1, %dma_start3A_84, %dma_start3A_85] : memref<2x16x158x128xi32, #tpu.memory_space<hbm>> -> memref<1x1x158x128xi32, #tpu.memory_space<hbm>>
      %dma_start3A_87 = tpu.memref_squeeze %dma_start3A_86 : memref<1x1x158x128xi32, #tpu.memory_space<hbm>> -> memref<158x128xi32, #tpu.memory_space<hbm>>
      tpu.enqueue_dma source(%dma_start3A_87 : memref<158x128xi32, #tpu.memory_space<hbm>>) target(%arg7 : memref<158x128xi32, #tpu.memory_space<vmem>>) target_semaphore(%run_scoped3A : memref<!tpu.dma_semaphore, #tpu.memory_space<semaphore_mem>>)
      %dma_wait3A_88 = arith.constant 0 : i32
      %dma_wait3A_89 = arith.constant 0 : i32
      %dma_wait3A_90 = tpu.memref_slice %arg3[%arg0, %arg1, %dma_wait3A_88, %dma_wait3A_89] : memref<2x16x158x128xi32, #tpu.memory_space<hbm>> -> memref<1x1x158x128xi32, #tpu.memory_space<hbm>>
      %dma_wait3A_91 = tpu.memref_squeeze %dma_wait3A_90 : memref<1x1x158x128xi32, #tpu.memory_space<hbm>> -> memref<158x128xi32, #tpu.memory_space<hbm>>
      %dma_wait3A_92 = arith.constant 0 : i32
      %dma_wait3A_93 = arith.constant 0 : i32
      %dma_wait3A_94 = tpu.memref_slice %arg3[%arg0, %arg1, %dma_wait3A_92, %dma_wait3A_93] : memref<2x16x158x128xi32, #tpu.memory_space<hbm>> -> memref<1x1x158x128xi32, #tpu.memory_space<hbm>>
      %dma_wait3A_95 = tpu.memref_squeeze %dma_wait3A_94 : memref<1x1x158x128xi32, #tpu.memory_space<hbm>> -> memref<158x128xi32, #tpu.memory_space<hbm>>
      tpu.wait_dma2 semaphore(%run_scoped3A : memref<!tpu.dma_semaphore, #tpu.memory_space<semaphore_mem>>) src(%dma_wait3A_95 : memref<158x128xi32, #tpu.memory_space<hbm>>) dst(%arg7 : memref<158x128xi32, #tpu.memory_space<vmem>>)
      tpu.yield
    }) : () -> ()
    "tpu.region"() ({
      %run_scoped3A = tpu.sem_alloc : memref<!tpu.dma_semaphore, #tpu.memory_space<semaphore_mem>>
      %dma_start3A_80 = arith.constant 0 : i32
      %dma_start3A_81 = arith.constant 0 : i32
      %dma_start3A_82 = tpu.memref_slice %arg4[%arg1, %dma_start3A_80, %dma_start3A_81] : memref<16x158x128xi32, #tpu.memory_space<hbm>> -> memref<1x158x128xi32, #tpu.memory_space<hbm>>
      %dma_start3A_83 = tpu.memref_squeeze %dma_start3A_82 : memref<1x158x128xi32, #tpu.memory_space<hbm>> -> memref<158x128xi32, #tpu.memory_space<hbm>>
      %dma_start3A_84 = arith.constant 0 : i32
      %dma_start3A_85 = arith.constant 0 : i32
      %dma_start3A_86 = tpu.memref_slice %arg4[%arg1, %dma_start3A_84, %dma_start3A_85] : memref<16x158x128xi32, #tpu.memory_space<hbm>> -> memref<1x158x128xi32, #tpu.memory_space<hbm>>
      %dma_start3A_87 = tpu.memref_squeeze %dma_start3A_86 : memref<1x158x128xi32, #tpu.memory_space<hbm>> -> memref<158x128xi32, #tpu.memory_space<hbm>>
      tpu.enqueue_dma source(%dma_start3A_87 : memref<158x128xi32, #tpu.memory_space<hbm>>) target(%arg8 : memref<158x128xi32, #tpu.memory_space<vmem>>) target_semaphore(%run_scoped3A : memref<!tpu.dma_semaphore, #tpu.memory_space<semaphore_mem>>)
      %dma_wait3A_88 = arith.constant 0 : i32
      %dma_wait3A_89 = arith.constant 0 : i32
      %dma_wait3A_90 = tpu.memref_slice %arg4[%arg1, %dma_wait3A_88, %dma_wait3A_89] : memref<16x158x128xi32, #tpu.memory_space<hbm>> -> memref<1x158x128xi32, #tpu.memory_space<hbm>>
      %dma_wait3A_91 = tpu.memref_squeeze %dma_wait3A_90 : memref<1x158x128xi32, #tpu.memory_space<hbm>> -> memref<158x128xi32, #tpu.memory_space<hbm>>
      %dma_wait3A_92 = arith.constant 0 : i32
      %dma_wait3A_93 = arith.constant 0 : i32
      %dma_wait3A_94 = tpu.memref_slice %arg4[%arg1, %dma_wait3A_92, %dma_wait3A_93] : memref<16x158x128xi32, #tpu.memory_space<hbm>> -> memref<1x158x128xi32, #tpu.memory_space<hbm>>
      %dma_wait3A_95 = tpu.memref_squeeze %dma_wait3A_94 : memref<1x158x128xi32, #tpu.memory_space<hbm>> -> memref<158x128xi32, #tpu.memory_space<hbm>>
      tpu.wait_dma2 semaphore(%run_scoped3A : memref<!tpu.dma_semaphore, #tpu.memory_space<semaphore_mem>>) src(%dma_wait3A_95 : memref<158x128xi32, #tpu.memory_space<hbm>>) dst(%arg8 : memref<158x128xi32, #tpu.memory_space<vmem>>)
      tpu.yield
    }) : () -> ()
    %dma_start3A = arith.constant 0 : i32
    %dma_start3A_58 = arith.constant 0 : i32
    %dma_start3A_59 = tpu.memref_slice %arg7[%dma_start3A, %dma_start3A_58] : memref<158x128xi32, #tpu.memory_space<vmem>> -> memref<1x128xi32, #tpu.memory_space<vmem>>
    %dma_start3A_60 = tpu.memref_squeeze %dma_start3A_59 : memref<1x128xi32, #tpu.memory_space<vmem>> -> memref<128xi32, #tpu.memory_space<vmem>>
    %dma_start3A_61 = arith.constant 0 : i32
    %dma_start3A_62 = arith.constant 0 : i32
    %dma_start3A_63 = tpu.memref_slice %arg2[%dma_start3A_61, %dma_start3A_62] : memref<20000x64xbf16, #tpu.memory_space<hbm>> -> memref<20000x64xbf16, #tpu.memory_space<hbm>>
    tpu.enqueue_indirect_dma source(%dma_start3A_63 : memref<20000x64xbf16, #tpu.memory_space<hbm>>) target(%arg9 : memref<128x64xbf16, #tpu.memory_space<vmem>>) offsets(%dma_start3A_60 : memref<128xi32, #tpu.memory_space<vmem>>) semaphore(%arg13 : memref<!tpu.dma_semaphore, #tpu.memory_space<semaphore_mem>>)
    %scan3A = arith.constant 0 : i32
    %scan3A_64 = arith.constant 0 : i32
    %scan3A_65 = arith.constant 79 : i32
    %scan3A_66 = arith.addi %scan3A_64, %scan3A_65 : i32
    %scan3A_67 = arith.constant 1 : i32
    scf.for %scan3A_80 = %scan3A_64 to %scan3A_66 step %scan3A_67  : i32 {
      %mul3A_81 = arith.constant 2 : i32
      %mul3A_82 = arith.muli %mul3A_81, %scan3A_80 : i32
      %gt3A = arith.constant 0 : i32
      %gt3A_83 = arith.cmpi sgt, %scan3A_80, %gt3A : i32
      %convert_element_type3A = arith.extui %gt3A_83 : i1 to i32
      %cond3A = arith.constant 0 : i32
      %cond3A_84 = arith.cmpi ne, %convert_element_type3A, %cond3A : i32
      scf.if %cond3A_84 {
        %sub3A = arith.constant 1 : i32
        %sub3A_133 = arith.subi %mul3A_82, %sub3A : i32
        %dma_wait3A_134 = arith.constant 0 : i32
        %dma_wait3A_135 = tpu.memref_slice %arg8[%sub3A_133, %dma_wait3A_134] : memref<158x128xi32, #tpu.memory_space<vmem>> -> memref<1x128xi32, #tpu.memory_space<vmem>>
        %dma_wait3A_136 = tpu.memref_squeeze %dma_wait3A_135 : memref<1x128xi32, #tpu.memory_space<vmem>> -> memref<128xi32, #tpu.memory_space<vmem>>
        %dma_wait3A_137 = arith.constant 0 : i32
        %dma_wait3A_138 = arith.constant 0 : i32
        %dma_wait3A_139 = tpu.memref_slice %arg12[%dma_wait3A_137, %dma_wait3A_138] : memref<20480x64xbf16, #tpu.memory_space<vmem_shared>> -> memref<20480x64xbf16, #tpu.memory_space<vmem_shared>>
        tpu.wait_indirect_dma semaphore(%arg16 : memref<!tpu.dma_semaphore, #tpu.memory_space<semaphore_mem>>) src(%arg10 : memref<128x64xbf16, #tpu.memory_space<vmem>>) dst(%dma_wait3A_139 : memref<20480x64xbf16, #tpu.memory_space<vmem_shared>>)
      } else {
      }
      %add3A_85 = arith.constant 1 : i32
      %add3A_86 = arith.addi %mul3A_82, %add3A_85 : i32
      %dma_start3A_87 = arith.constant 0 : i32
      %dma_start3A_88 = tpu.memref_slice %arg7[%add3A_86, %dma_start3A_87] : memref<158x128xi32, #tpu.memory_space<vmem>> -> memref<1x128xi32, #tpu.memory_space<vmem>>
      %dma_start3A_89 = tpu.memref_squeeze %dma_start3A_88 : memref<1x128xi32, #tpu.memory_space<vmem>> -> memref<128xi32, #tpu.memory_space<vmem>>
      %dma_start3A_90 = arith.constant 0 : i32
      %dma_start3A_91 = arith.constant 0 : i32
      %dma_start3A_92 = tpu.memref_slice %arg2[%dma_start3A_90, %dma_start3A_91] : memref<20000x64xbf16, #tpu.memory_space<hbm>> -> memref<20000x64xbf16, #tpu.memory_space<hbm>>
      tpu.enqueue_indirect_dma source(%dma_start3A_92 : memref<20000x64xbf16, #tpu.memory_space<hbm>>) target(%arg10 : memref<128x64xbf16, #tpu.memory_space<vmem>>) offsets(%dma_start3A_89 : memref<128xi32, #tpu.memory_space<vmem>>) semaphore(%arg14 : memref<!tpu.dma_semaphore, #tpu.memory_space<semaphore_mem>>)
      %dma_wait3A_93 = arith.constant 0 : i32
      %dma_wait3A_94 = tpu.memref_slice %arg7[%mul3A_82, %dma_wait3A_93] : memref<158x128xi32, #tpu.memory_space<vmem>> -> memref<1x128xi32, #tpu.memory_space<vmem>>
      %dma_wait3A_95 = tpu.memref_squeeze %dma_wait3A_94 : memref<1x128xi32, #tpu.memory_space<vmem>> -> memref<128xi32, #tpu.memory_space<vmem>>
      %dma_wait3A_96 = arith.constant 0 : i32
      %dma_wait3A_97 = arith.constant 0 : i32
      %dma_wait3A_98 = tpu.memref_slice %arg2[%dma_wait3A_96, %dma_wait3A_97] : memref<20000x64xbf16, #tpu.memory_space<hbm>> -> memref<20000x64xbf16, #tpu.memory_space<hbm>>
      tpu.wait_indirect_dma semaphore(%arg13 : memref<!tpu.dma_semaphore, #tpu.memory_space<semaphore_mem>>) src(%dma_wait3A_98 : memref<20000x64xbf16, #tpu.memory_space<hbm>>) dst(%arg9 : memref<128x64xbf16, #tpu.memory_space<vmem>>)
      %dma_start3A_99 = arith.constant 0 : i32
      %dma_start3A_100 = tpu.memref_slice %arg8[%mul3A_82, %dma_start3A_99] : memref<158x128xi32, #tpu.memory_space<vmem>> -> memref<1x128xi32, #tpu.memory_space<vmem>>
      %dma_start3A_101 = tpu.memref_squeeze %dma_start3A_100 : memref<1x128xi32, #tpu.memory_space<vmem>> -> memref<128xi32, #tpu.memory_space<vmem>>
      %dma_start3A_102 = arith.constant 0 : i32
      %dma_start3A_103 = arith.constant 0 : i32
      %dma_start3A_104 = tpu.memref_slice %arg12[%dma_start3A_102, %dma_start3A_103] : memref<20480x64xbf16, #tpu.memory_space<vmem_shared>> -> memref<20480x64xbf16, #tpu.memory_space<vmem_shared>>
      tpu.enqueue_indirect_dma source(%arg9 : memref<128x64xbf16, #tpu.memory_space<vmem>>) target(%dma_start3A_104 : memref<20480x64xbf16, #tpu.memory_space<vmem_shared>>) offsets(%dma_start3A_101 : memref<128xi32, #tpu.memory_space<vmem>>) semaphore(%arg15 : memref<!tpu.dma_semaphore, #tpu.memory_space<semaphore_mem>>) {add = true}
      %dma_wait3A_105 = arith.constant 0 : i32
      %dma_wait3A_106 = tpu.memref_slice %arg8[%mul3A_82, %dma_wait3A_105] : memref<158x128xi32, #tpu.memory_space<vmem>> -> memref<1x128xi32, #tpu.memory_space<vmem>>
      %dma_wait3A_107 = tpu.memref_squeeze %dma_wait3A_106 : memref<1x128xi32, #tpu.memory_space<vmem>> -> memref<128xi32, #tpu.memory_space<vmem>>
      %dma_wait3A_108 = arith.constant 0 : i32
      %dma_wait3A_109 = arith.constant 0 : i32
      %dma_wait3A_110 = tpu.memref_slice %arg12[%dma_wait3A_108, %dma_wait3A_109] : memref<20480x64xbf16, #tpu.memory_space<vmem_shared>> -> memref<20480x64xbf16, #tpu.memory_space<vmem_shared>>
      tpu.wait_indirect_dma semaphore(%arg15 : memref<!tpu.dma_semaphore, #tpu.memory_space<semaphore_mem>>) src(%arg9 : memref<128x64xbf16, #tpu.memory_space<vmem>>) dst(%dma_wait3A_110 : memref<20480x64xbf16, #tpu.memory_space<vmem_shared>>)
      %add3A_111 = arith.constant 1 : i32
      %add3A_112 = arith.addi %scan3A_80, %add3A_111 : i32
      %lt3A = arith.constant 79 : i32
      %lt3A_113 = arith.cmpi slt, %add3A_112, %lt3A : i32
      %convert_element_type3A_114 = arith.extui %lt3A_113 : i1 to i32
      %cond3A_115 = arith.constant 0 : i32
      %cond3A_116 = arith.cmpi ne, %convert_element_type3A_114, %cond3A_115 : i32
      scf.if %cond3A_116 {
        %add3A_133 = arith.constant 2 : i32
        %add3A_134 = arith.addi %mul3A_82, %add3A_133 : i32
        %dma_start3A_135 = arith.constant 0 : i32
        %dma_start3A_136 = tpu.memref_slice %arg7[%add3A_134, %dma_start3A_135] : memref<158x128xi32, #tpu.memory_space<vmem>> -> memref<1x128xi32, #tpu.memory_space<vmem>>
        %dma_start3A_137 = tpu.memref_squeeze %dma_start3A_136 : memref<1x128xi32, #tpu.memory_space<vmem>> -> memref<128xi32, #tpu.memory_space<vmem>>
        %dma_start3A_138 = arith.constant 0 : i32
        %dma_start3A_139 = arith.constant 0 : i32
        %dma_start3A_140 = tpu.memref_slice %arg2[%dma_start3A_138, %dma_start3A_139] : memref<20000x64xbf16, #tpu.memory_space<hbm>> -> memref<20000x64xbf16, #tpu.memory_space<hbm>>
        tpu.enqueue_indirect_dma source(%dma_start3A_140 : memref<20000x64xbf16, #tpu.memory_space<hbm>>) target(%arg9 : memref<128x64xbf16, #tpu.memory_space<vmem>>) offsets(%dma_start3A_137 : memref<128xi32, #tpu.memory_space<vmem>>) semaphore(%arg13 : memref<!tpu.dma_semaphore, #tpu.memory_space<semaphore_mem>>)
      } else {
      }
      %add3A_117 = arith.constant 1 : i32
      %add3A_118 = arith.addi %mul3A_82, %add3A_117 : i32
      %dma_wait3A_119 = arith.constant 0 : i32
      %dma_wait3A_120 = tpu.memref_slice %arg7[%add3A_118, %dma_wait3A_119] : memref<158x128xi32, #tpu.memory_space<vmem>> -> memref<1x128xi32, #tpu.memory_space<vmem>>
      %dma_wait3A_121 = tpu.memref_squeeze %dma_wait3A_120 : memref<1x128xi32, #tpu.memory_space<vmem>> -> memref<128xi32, #tpu.memory_space<vmem>>
      %dma_wait3A_122 = arith.constant 0 : i32
      %dma_wait3A_123 = arith.constant 0 : i32
      %dma_wait3A_124 = tpu.memref_slice %arg2[%dma_wait3A_122, %dma_wait3A_123] : memref<20000x64xbf16, #tpu.memory_space<hbm>> -> memref<20000x64xbf16, #tpu.memory_space<hbm>>
      tpu.wait_indirect_dma semaphore(%arg14 : memref<!tpu.dma_semaphore, #tpu.memory_space<semaphore_mem>>) src(%dma_wait3A_124 : memref<20000x64xbf16, #tpu.memory_space<hbm>>) dst(%arg10 : memref<128x64xbf16, #tpu.memory_space<vmem>>)
      %add3A_125 = arith.constant 1 : i32
      %add3A_126 = arith.addi %mul3A_82, %add3A_125 : i32
      %dma_start3A_127 = arith.constant 0 : i32
      %dma_start3A_128 = tpu.memref_slice %arg8[%add3A_126, %dma_start3A_127] : memref<158x128xi32, #tpu.memory_space<vmem>> -> memref<1x128xi32, #tpu.memory_space<vmem>>
      %dma_start3A_129 = tpu.memref_squeeze %dma_start3A_128 : memref<1x128xi32, #tpu.memory_space<vmem>> -> memref<128xi32, #tpu.memory_space<vmem>>
      %dma_start3A_130 = arith.constant 0 : i32
      %dma_start3A_131 = arith.constant 0 : i32
      %dma_start3A_132 = tpu.memref_slice %arg12[%dma_start3A_130, %dma_start3A_131] : memref<20480x64xbf16, #tpu.memory_space<vmem_shared>> -> memref<20480x64xbf16, #tpu.memory_space<vmem_shared>>
      tpu.enqueue_indirect_dma source(%arg10 : memref<128x64xbf16, #tpu.memory_space<vmem>>) target(%dma_start3A_132 : memref<20480x64xbf16, #tpu.memory_space<vmem_shared>>) offsets(%dma_start3A_129 : memref<128xi32, #tpu.memory_space<vmem>>) semaphore(%arg16 : memref<!tpu.dma_semaphore, #tpu.memory_space<semaphore_mem>>) {add = true}
    }
    %scan3A_68 = arith.constant 79 : i32
    %dma_wait3A = arith.constant 157 : i32
    %dma_wait3A_69 = arith.constant 0 : i32
    %dma_wait3A_70 = tpu.memref_slice %arg8[%dma_wait3A, %dma_wait3A_69] : memref<158x128xi32, #tpu.memory_space<vmem>> -> memref<1x128xi32, #tpu.memory_space<vmem>>
    %dma_wait3A_71 = tpu.memref_squeeze %dma_wait3A_70 : memref<1x128xi32, #tpu.memory_space<vmem>> -> memref<128xi32, #tpu.memory_space<vmem>>
    %dma_wait3A_72 = arith.constant 0 : i32
    %dma_wait3A_73 = arith.constant 0 : i32
    %dma_wait3A_74 = tpu.memref_slice %arg12[%dma_wait3A_72, %dma_wait3A_73] : memref<20480x64xbf16, #tpu.memory_space<vmem_shared>> -> memref<20480x64xbf16, #tpu.memory_space<vmem_shared>>
    tpu.wait_indirect_dma semaphore(%arg16 : memref<!tpu.dma_semaphore, #tpu.memory_space<semaphore_mem>>) src(%arg10 : memref<128x64xbf16, #tpu.memory_space<vmem>>) dst(%dma_wait3A_74 : memref<20480x64xbf16, #tpu.memory_space<vmem_shared>>)
    %barrier3A_75 = arith.constant 0 : index
    tpu.barrier barrier_id(%barrier3A_75)
    %mul3A_76 = arith.constant 1280 : i32
    %mul3A_77 = arith.muli %arg1, %mul3A_76 : i32
    %mul3A_78 = arith.constant 1280 : i32
    %mul3A_79 = arith.muli %arg1, %mul3A_78 : i32
    "tpu.region"() ({
      %run_scoped3A = tpu.sem_alloc : memref<!tpu.dma_semaphore, #tpu.memory_space<semaphore_mem>>
      %dma_start3A_80 = arith.constant 0 : i32
      %dma_start3A_81 = tpu.memref_slice %arg6[%arg0, %mul3A_79, %dma_start3A_80] : memref<2x20480x64xbf16, #tpu.memory_space<hbm>> -> memref<1x1280x64xbf16, #tpu.memory_space<hbm>>
      %dma_start3A_82 = tpu.memref_squeeze %dma_start3A_81 : memref<1x1280x64xbf16, #tpu.memory_space<hbm>> -> memref<1280x64xbf16, #tpu.memory_space<hbm>>
      %dma_start3A_83 = arith.constant 0 : i32
      %dma_start3A_84 = tpu.memref_slice %arg12[%mul3A_77, %dma_start3A_83] : memref<20480x64xbf16, #tpu.memory_space<vmem_shared>> -> memref<1280x64xbf16, #tpu.memory_space<vmem_shared>>
      tpu.enqueue_dma source(%dma_start3A_84 : memref<1280x64xbf16, #tpu.memory_space<vmem_shared>>) target(%dma_start3A_82 : memref<1280x64xbf16, #tpu.memory_space<hbm>>) target_semaphore(%run_scoped3A : memref<!tpu.dma_semaphore, #tpu.memory_space<semaphore_mem>>)
      %dma_wait3A_85 = arith.constant 0 : i32
      %dma_wait3A_86 = tpu.memref_slice %arg6[%arg0, %mul3A_79, %dma_wait3A_85] : memref<2x20480x64xbf16, #tpu.memory_space<hbm>> -> memref<1x1280x64xbf16, #tpu.memory_space<hbm>>
      %dma_wait3A_87 = tpu.memref_squeeze %dma_wait3A_86 : memref<1x1280x64xbf16, #tpu.memory_space<hbm>> -> memref<1280x64xbf16, #tpu.memory_space<hbm>>
      %dma_wait3A_88 = arith.constant 0 : i32
      %dma_wait3A_89 = tpu.memref_slice %arg12[%mul3A_77, %dma_wait3A_88] : memref<20480x64xbf16, #tpu.memory_space<vmem_shared>> -> memref<1280x64xbf16, #tpu.memory_space<vmem_shared>>
      tpu.wait_dma2 semaphore(%run_scoped3A : memref<!tpu.dma_semaphore, #tpu.memory_space<semaphore_mem>>) src(%dma_wait3A_89 : memref<1280x64xbf16, #tpu.memory_space<vmem_shared>>) dst(%dma_wait3A_87 : memref<1280x64xbf16, #tpu.memory_space<hbm>>)
      tpu.yield
    }) : () -> ()
    return
  }
}

module attributes {stable_mosaic.version = 14 : i64} {
  func.func @body(%arg0: i32, %arg1: memref<2x2x2000x64xbf16, #tpu.memory_space<vmem>>, %arg2: memref<128x128xf32, #tpu.memory_space<vmem>>, %arg3: memref<1x128xf32, #tpu.memory_space<vmem>>, %arg4: memref<2000x2x64xbf16, #tpu.memory_space<vmem>>) attributes {dimension_semantics = [#tpu.dimension_semantics<arbitrary>], iteration_bounds = array<i64: 5>, scalar_prefetch = 0 : i64, scratch_operands = 0 : i64, tpu.core_type = #tpu.core_type<tc>, window_params = [{transform_indices = @transform_0, window_bounds = array<i64: 2, 2, 2000, 64>}, {pipeline_mode = #tpu.pipeline_mode<synchronous>, transform_indices = @transform_1, window_bounds = array<i64: 128, 128>}, {pipeline_mode = #tpu.pipeline_mode<synchronous>, transform_indices = @transform_2, window_bounds = array<i64: 1, 128>}, {transform_indices = @transform_3, window_bounds = array<i64: 2000, 2, 64>}]} {
    %get3A = arith.constant 0 : index
    %get3A_0 = arith.constant 0 : index
    %get3A_1 = arith.constant 0 : index
    %get3A_2 = arith.constant 0 : index
    %get3A_3 = vector.load %arg1[%get3A, %get3A_0, %get3A_1, %get3A_2] : memref<2x2x2000x64xbf16, #tpu.memory_space<vmem>>, vector<2x2x2000x64xbf16>
    %convert_element_type3A = arith.extf %get3A_3 : vector<2x2x2000x64xbf16> to vector<2x2x2000x64xf32>
    %slice3A = vector.extract_strided_slice %convert_element_type3A {offsets = [0, 0, 0, 0], sizes = [1, 1, 2000, 64], strides = [1, 1, 1, 1]} : vector<2x2x2000x64xf32> to vector<1x1x2000x64xf32>
    %squeeze3A = vector.shape_cast %slice3A : vector<1x1x2000x64xf32> to vector<2000x64xf32>
    %slice3A_4 = vector.extract_strided_slice %convert_element_type3A {offsets = [0, 1, 0, 0], sizes = [1, 1, 2000, 64], strides = [1, 1, 1, 1]} : vector<2x2x2000x64xf32> to vector<1x1x2000x64xf32>
    %squeeze3A_5 = vector.shape_cast %slice3A_4 : vector<1x1x2000x64xf32> to vector<2000x64xf32>
    %add3A = arith.addf %squeeze3A, %squeeze3A_5 : vector<2000x64xf32>
    %slice3A_6 = vector.extract_strided_slice %convert_element_type3A {offsets = [1, 0, 0, 0], sizes = [1, 1, 2000, 64], strides = [1, 1, 1, 1]} : vector<2x2x2000x64xf32> to vector<1x1x2000x64xf32>
    %squeeze3A_7 = vector.shape_cast %slice3A_6 : vector<1x1x2000x64xf32> to vector<2000x64xf32>
    %slice3A_8 = vector.extract_strided_slice %convert_element_type3A {offsets = [1, 1, 0, 0], sizes = [1, 1, 2000, 64], strides = [1, 1, 1, 1]} : vector<2x2x2000x64xf32> to vector<1x1x2000x64xf32>
    %squeeze3A_9 = vector.shape_cast %slice3A_8 : vector<1x1x2000x64xf32> to vector<2000x64xf32>
    %add3A_10 = arith.addf %squeeze3A_7, %squeeze3A_9 : vector<2000x64xf32>
    %concatenate3A = tpu.concatenate %add3A, %add3A_10 in 1 : vector<2000x64xf32>, vector<2000x64xf32> -> vector<2000x128xf32>
    %get3A_11 = arith.constant 0 : index
    %get3A_12 = arith.constant 0 : index
    %get3A_13 = vector.load %arg2[%get3A_11, %get3A_12] : memref<128x128xf32, #tpu.memory_space<vmem>>, vector<128x128xf32>
    %dot_general3A = arith.constant dense<0.000000e+00> : vector<2000x128xf32>
    %dot_general3A_14 = tpu.matmul %concatenate3A, %get3A_13, %dot_general3A {dimension_numbers = #tpu.dot_dimension_numbers<[1], [0], [0], [1], [0, 0, 1, 1], [], []>, precision = #tpu.contract_precision<fp32>, transpose_lhs_hint = false} : vector<2000x128xf32>, vector<128x128xf32>, vector<2000x128xf32> -> vector<2000x128xf32>
    %get3A_15 = arith.constant 0 : index
    %get3A_16 = arith.constant 0 : index
    %get3A_17 = vector.load %arg3[%get3A_15, %get3A_16] : memref<1x128xf32, #tpu.memory_space<vmem>>, vector<1x128xf32>
    %add3A_18 = vector.broadcast %get3A_17 : vector<1x128xf32> to vector<2000x128xf32>
    %add3A_19 = arith.addf %dot_general3A_14, %add3A_18 : vector<2000x128xf32>
    %max3A = arith.constant 0.000000e+00 : f32
    %max3A_20 = vector.broadcast %max3A : f32 to vector<2000x128xf32>
    %max3A_21 = arith.maximumf %add3A_19, %max3A_20 : vector<2000x128xf32>
    %convert_element_type3A_22 = arith.truncf %max3A_21 : vector<2000x128xf32> to vector<2000x128xbf16>
    %reshape3A = vector.shape_cast %convert_element_type3A_22 : vector<2000x128xbf16> to vector<2000x2x64xbf16>
    %swap3A = arith.constant 0 : index
    %swap3A_23 = arith.constant 0 : index
    %swap3A_24 = arith.constant 0 : index
    %swap3A_25 = vector.load %arg4[%swap3A, %swap3A_23, %swap3A_24] : memref<2000x2x64xbf16, #tpu.memory_space<vmem>>, vector<2000x2x64xbf16>
    tpu.vector_store %arg4[%swap3A, %swap3A_23, %swap3A_24], %reshape3A {strides = array<i32>} : memref<2000x2x64xbf16, #tpu.memory_space<vmem>>, vector<2000x2x64xbf16>,
    return
  }
  func.func @transform_0(%arg0: i32) -> (i32, i32, i32, i32) {
    %c0_i32 = arith.constant 0 : i32
    %c0_i32_0 = arith.constant 0 : i32
    %c0_i32_1 = arith.constant 0 : i32
    %c0_i32_2 = arith.constant 0 : i32
    return %c0_i32, %c0_i32_0, %arg0, %c0_i32_1 : i32, i32, i32, i32
  }
  func.func @transform_1(%arg0: i32) -> (i32, i32) {
    %c0_i32 = arith.constant 0 : i32
    %c0_i32_0 = arith.constant 0 : i32
    %c0_i32_1 = arith.constant 0 : i32
    return %c0_i32, %c0_i32_0 : i32, i32
  }
  func.func @transform_2(%arg0: i32) -> (i32, i32) {
    %c0_i32 = arith.constant 0 : i32
    %c0_i32_0 = arith.constant 0 : i32
    %c0_i32_1 = arith.constant 0 : i32
    return %c0_i32, %c0_i32_0 : i32, i32
  }
  func.func @transform_3(%arg0: i32) -> (i32, i32, i32) {
    %c0_i32 = arith.constant 0 : i32
    %c0_i32_0 = arith.constant 0 : i32
    %c0_i32_1 = arith.constant 0 : i32
    return %arg0, %c0_i32, %c0_i32_0 : i32, i32, i32
  }
}

module attributes {stable_mosaic.version = 14 : i64} {
  func.func @body(%arg0: i32, %arg1: memref<2x2x2000x64xbf16, #tpu.memory_space<vmem>>, %arg2: memref<128x128xf32, #tpu.memory_space<vmem>>, %arg3: memref<1x128xf32, #tpu.memory_space<vmem>>, %arg4: memref<2000x128xf32, #tpu.memory_space<vmem>>) attributes {dimension_semantics = [#tpu.dimension_semantics<arbitrary>], iteration_bounds = array<i64: 5>, scalar_prefetch = 0 : i64, scratch_operands = 0 : i64, tpu.core_type = #tpu.core_type<tc>, window_params = [{transform_indices = @transform_0, window_bounds = array<i64: 2, 2, 2000, 64>}, {pipeline_mode = #tpu.pipeline_mode<synchronous>, transform_indices = @transform_1, window_bounds = array<i64: 128, 128>}, {pipeline_mode = #tpu.pipeline_mode<synchronous>, transform_indices = @transform_2, window_bounds = array<i64: 1, 128>}, {transform_indices = @transform_3, window_bounds = array<i64: 2000, 128>}]} {
    %get3A = arith.constant 0 : index
    %get3A_0 = arith.constant 0 : index
    %get3A_1 = arith.constant 0 : index
    %get3A_2 = arith.constant 0 : index
    %get3A_3 = vector.load %arg1[%get3A, %get3A_0, %get3A_1, %get3A_2] : memref<2x2x2000x64xbf16, #tpu.memory_space<vmem>>, vector<2x2x2000x64xbf16>
    %convert_element_type3A = arith.extf %get3A_3 : vector<2x2x2000x64xbf16> to vector<2x2x2000x64xf32>
    %slice3A = vector.extract_strided_slice %convert_element_type3A {offsets = [0, 0, 0, 0], sizes = [1, 1, 2000, 64], strides = [1, 1, 1, 1]} : vector<2x2x2000x64xf32> to vector<1x1x2000x64xf32>
    %squeeze3A = vector.shape_cast %slice3A : vector<1x1x2000x64xf32> to vector<2000x64xf32>
    %slice3A_4 = vector.extract_strided_slice %convert_element_type3A {offsets = [0, 1, 0, 0], sizes = [1, 1, 2000, 64], strides = [1, 1, 1, 1]} : vector<2x2x2000x64xf32> to vector<1x1x2000x64xf32>
    %squeeze3A_5 = vector.shape_cast %slice3A_4 : vector<1x1x2000x64xf32> to vector<2000x64xf32>
    %add3A = arith.addf %squeeze3A, %squeeze3A_5 : vector<2000x64xf32>
    %slice3A_6 = vector.extract_strided_slice %convert_element_type3A {offsets = [1, 0, 0, 0], sizes = [1, 1, 2000, 64], strides = [1, 1, 1, 1]} : vector<2x2x2000x64xf32> to vector<1x1x2000x64xf32>
    %squeeze3A_7 = vector.shape_cast %slice3A_6 : vector<1x1x2000x64xf32> to vector<2000x64xf32>
    %slice3A_8 = vector.extract_strided_slice %convert_element_type3A {offsets = [1, 1, 0, 0], sizes = [1, 1, 2000, 64], strides = [1, 1, 1, 1]} : vector<2x2x2000x64xf32> to vector<1x1x2000x64xf32>
    %squeeze3A_9 = vector.shape_cast %slice3A_8 : vector<1x1x2000x64xf32> to vector<2000x64xf32>
    %add3A_10 = arith.addf %squeeze3A_7, %squeeze3A_9 : vector<2000x64xf32>
    %concatenate3A = tpu.concatenate %add3A, %add3A_10 in 1 : vector<2000x64xf32>, vector<2000x64xf32> -> vector<2000x128xf32>
    %get3A_11 = arith.constant 0 : index
    %get3A_12 = arith.constant 0 : index
    %get3A_13 = vector.load %arg2[%get3A_11, %get3A_12] : memref<128x128xf32, #tpu.memory_space<vmem>>, vector<128x128xf32>
    %dot_general3A = arith.constant dense<0.000000e+00> : vector<2000x128xf32>
    %dot_general3A_14 = tpu.matmul %concatenate3A, %get3A_13, %dot_general3A {dimension_numbers = #tpu.dot_dimension_numbers<[1], [0], [0], [1], [0, 0, 1, 1], [], []>, precision = #tpu.contract_precision<fp32>, transpose_lhs_hint = false} : vector<2000x128xf32>, vector<128x128xf32>, vector<2000x128xf32> -> vector<2000x128xf32>
    %get3A_15 = arith.constant 0 : index
    %get3A_16 = arith.constant 0 : index
    %get3A_17 = vector.load %arg3[%get3A_15, %get3A_16] : memref<1x128xf32, #tpu.memory_space<vmem>>, vector<1x128xf32>
    %add3A_18 = vector.broadcast %get3A_17 : vector<1x128xf32> to vector<2000x128xf32>
    %add3A_19 = arith.addf %dot_general3A_14, %add3A_18 : vector<2000x128xf32>
    %swap3A = arith.constant 0 : index
    %swap3A_20 = arith.constant 0 : index
    %swap3A_21 = vector.load %arg4[%swap3A, %swap3A_20] : memref<2000x128xf32, #tpu.memory_space<vmem>>, vector<2000x128xf32>
    tpu.vector_store %arg4[%swap3A, %swap3A_20], %add3A_19 {strides = array<i32>} : memref<2000x128xf32, #tpu.memory_space<vmem>>, vector<2000x128xf32>,
    return
  }
  func.func @transform_0(%arg0: i32) -> (i32, i32, i32, i32) {
    %c0_i32 = arith.constant 0 : i32
    %c0_i32_0 = arith.constant 0 : i32
    %c0_i32_1 = arith.constant 0 : i32
    %c0_i32_2 = arith.constant 0 : i32
    return %c0_i32, %c0_i32_0, %arg0, %c0_i32_1 : i32, i32, i32, i32
  }
  func.func @transform_1(%arg0: i32) -> (i32, i32) {
    %c0_i32 = arith.constant 0 : i32
    %c0_i32_0 = arith.constant 0 : i32
    %c0_i32_1 = arith.constant 0 : i32
    return %c0_i32, %c0_i32_0 : i32, i32
  }
  func.func @transform_2(%arg0: i32) -> (i32, i32) {
    %c0_i32 = arith.constant 0 : i32
    %c0_i32_0 = arith.constant 0 : i32
    %c0_i32_1 = arith.constant 0 : i32
    return %c0_i32, %c0_i32_0 : i32, i32
  }
  func.func @transform_3(%arg0: i32) -> (i32, i32) {
    %c0_i32 = arith.constant 0 : i32
    %c0_i32_0 = arith.constant 0 : i32
    return %arg0, %c0_i32 : i32, i32
  }
}

</mosaic_0001>

<sc_bundles>
// kernel: kernel.6.cloned.1.call-start
scs
__scs_entry_jumppad:
0x0: {  	(pc) =	sbr.rel $0x88, $3  }
0x1: {  	(tag) =	ssettag $0x0;
	lr =	simm.s32 $0x1  }
0x2: {  	[smem:$0x3F9B] =	sst lr;
	_ =	strace $0xD0000000  }
0x3: {  	_ = 	snop  }
0x4: {  	_ = 	snop  }
0x5: {  	_ = 	snop  }
0x6: {  	_ = 	snop  }
0x7: {  	_ = 	snop  }
__scs_overlays_trampoline_lowered:
0x8: {  	[smem:$0x3FAA] =	sst s0  }
0x9: {  	[smem:$0x3FAB] =	sst s1  }
0xa: {  	[smem:$0x3FAC] =	sst s2  }
0xb: {  	[smem:$0x3FAD] =	sst s3  }
0xc: {  	[smem:$0x3FAE] =	sst s4  }
0xd: {  	[smem:$0x3FAF] =	sst s5  }
0xe: {  	[smem:$0x3FB0] =	sst s6  }
0xf: {  	[smem:$0x3FB1] =	sst s7  }
0x10: {  	[smem:$0x3FB2] =	sst s8  }
0x11: {  	[smem:$0x3FB3] =	sst s9;
	s0 =	simm.s32 @!p0 $0x0  }
0x12: {  	s1 =	sld [smem:$0x3F99];
	s0 =	simm.s32 @p0 $0x1  }
0x13: {  	[smem:$0x3FB4] =	sst s0;
	s0 =	simm.s32 @!p1 $0x0  }
0x14: {  	s2 =	sld [smem:$0x3F98];
	s0 =	simm.s32 @p1 $0x1  }
0x15: {  	[smem:$0x3FB5] =	sst s0;
	s0 =	simm.s32 @!p2 $0x0  }
0x16: {  	s3 =	sld [smem:$0x3FDB];
	s0 =	simm.s32 @p2 $0x1  }
0x17: {  	s4 =	simm.s32 $0x1BF5;
	[smem:$0x3FB7] =	sst s0  }
0x18: {  	s0 =	sld [smem:$0x3F9A];
	_ =	swait.ge [sflag:s4], $0x0  }
0x19: {  	s7 =	sld [smem:$0x3F9B]  }
0x1a: {  	s8 =	sadd.s32 $0xFFFFE003, lr  }
0x1b: {  	s9 =	sadd.s32 $0xFFFFFEF7, lr;
	s5 =	simm.s32 $0xFFFFFFFF;
	p2 =	slt.u32 s8, $0xFFFFF086  }
0x1c: {  	p1 =	slt.u32 s9, $0xF7A;
	s5 =	simm.s32 @!p2 $0x0  }
0x1d: {  	s5 =	simm.s32 @p1 $0x1;
	p0 =	seq.s32 s7, s2  }
0x1e: {  	s7 =	smul.u32 @!p0 $0xF7A, s2;
	p2 =	seq.s32 @!p0 s5, $0x0  }
0x1f: {  	s9 =	smul.u32 $0xF7A, s1;
	s8 =	simm.s32 @!p0 $0x1BF5;
	p2 =	por !p2, p0  }
0x20: {  	[sflag:s8] =	ssyncset.s32 @!p0 $0xFFFFF086;
	s6 =	sadd.s32 @!p0 s3, s7;
	s7 =	simm.s32 @!p0 $0x108  }
0x21: {  	s3 =	sadd.s32 s3, s9;
	s6 =	sadd.s32 @!p0 $0x88, s6;
	s7 =	simm.s32 @p2 $0x1082  }
0x22: {  	[simem:s7], [sflag:s8] =	dma.local @!p0 [hbm:s6], $0xF7A  }
0x23: {  	s9 =	sor.u32 $0xD0000000, s2;
	s6 =	simm.s32 $0x108;
	_ =	swait.ge @!p0 [sflag:s8], $0x0  }
0x24: {  	s3 =	sadd.s32 $0x88, s3;
	s6 =	simm.s32 @!p1 $0x1082;
	[sflag:s4] =	ssyncset.s32 $0xFFFFF086  }
0x25: {  	[simem:s6], [sflag:s4] =	dma.local [hbm:s3], $0xF7A  }
0x26: {  	[smem:$0x3F9B] =	sst s1;
	(tag) =	ssettag s2;
	_ =	strace s9  }
0x27: {  	s1 =	sld [smem:$0x3FAB]  }
0x28: {  	s2 =	sld [smem:$0x3FAC]  }
0x29: {  	s4 =	sld [smem:$0x3FAE]  }
0x2a: {  	p0 =	seq.s32 s5, $0x0;
	s5 =	sld [smem:$0x3FAF]  }
0x2b: {  	s6 =	sld [smem:$0x3FB0]  }
0x2c: {  	s7 =	sld [smem:$0x3FB1]  }
0x2d: {  	s3 =	simm.s32 $0x108;
	s8 =	sld [smem:$0x3FB2]  }
0x2e: {  	s3 =	simm.s32 @!p0 $0x1082;
	s9 =	sld [smem:$0x3FB3]  }
0x2f: {  	lr =	sadd.s32 s0, s3;
	s0 =	sld [smem:$0x3FAA]  }
0x30: {  	s3 =	sld [smem:$0x3FAD]  }
0x31: {  	[smem:$0x3FB6] =	sst s10  }
0x32: {  	s10 =	sld [smem:$0x3FB4];
	_ =	sdelay $0x3  }
0x33: {  	p0 =	seq.s32 s10, $0x1;
	s10 =	sld [smem:$0x3FB6];
	_ =	sdelay $0x3  }
0x34: {  	[smem:$0x3FB6] =	sst s10  }
0x35: {  	s10 =	sld [smem:$0x3FB5];
	_ =	sdelay $0x3  }
0x36: {  	p1 =	seq.s32 s10, $0x1;
	s10 =	sld [smem:$0x3FB6];
	_ =	sdelay $0x3  }
0x37: {  	[smem:$0x3FB6] =	sst s10  }
0x38: {  	s10 =	sld [smem:$0x3FB7]  }
0x39: {  	_ = 	snop;
	(pc) =	sbr.ind lr, $3  }
0x3a: {  	_ = 	snop  }
0x3b: {  	_ = 	snop  }
0x3c: {  	p2 =	seq.s32 s10, $0x1;
	s10 =	sld [smem:$0x3FB6]  }
0x3d: {  	_ =	shalt  }
0x3e: {  	_ =	shalt  }
0x3f: {  	_ =	shalt  }
0x40: {  	_ =	shalt  }
0x41: {  	_ =	shalt  }
0x42: {  	_ =	shalt  }
0x43: {  	_ =	shalt  }
0x44: {  	_ =	shalt  }
0x45: {  	_ =	shalt  }
0x46: {  	_ =	shalt  }
0x47: {  	_ =	shalt  }
0x48: {  	_ =	shalt  }
0x49: {  	_ =	shalt  }
0x4a: {  	_ =	shalt  }
0x4b: {  	_ =	shalt  }
0x4c: {  	_ =	shalt  }
0x4d: {  	_ =	shalt  }
0x4e: {  	_ =	shalt  }
0x4f: {  	_ =	shalt  }
0x50: {  	_ =	shalt  }
0x51: {  	_ =	shalt  }
0x52: {  	_ =	shalt  }
0x53: {  	_ =	shalt  }
0x54: {  	_ =	shalt  }
0x55: {  	_ =	shalt  }
0x56: {  	_ =	shalt  }
0x57: {  	_ =	shalt  }
0x58: {  	_ =	shalt  }
0x59: {  	_ =	shalt  }
0x5a: {  	_ =	shalt  }
0x5b: {  	_ =	shalt  }
0x5c: {  	_ =	shalt  }
0x5d: {  	_ =	shalt  }
0x5e: {  	_ =	shalt  }
0x5f: {  	_ =	shalt  }
0x60: {  	_ =	shalt  }
0x61: {  	_ =	shalt  }
0x62: {  	_ =	shalt  }
0x63: {  	_ =	shalt  }
0x64: {  	_ =	shalt  }
0x65: {  	_ =	shalt  }
0x66: {  	_ =	shalt  }
0x67: {  	_ =	shalt  }
0x68: {  	_ =	shalt  }
0x69: {  	_ =	shalt  }
0x6a: {  	_ =	shalt  }
0x6b: {  	_ =	shalt  }
0x6c: {  	_ =	shalt  }
0x6d: {  	_ =	shalt  }
0x6e: {  	_ =	shalt  }
0x6f: {  	_ =	shalt  }
0x70: {  	_ =	shalt  }
0x71: {  	_ =	shalt  }
0x72: {  	_ =	shalt  }
0x73: {  	_ =	shalt  }
0x74: {  	_ =	shalt  }
0x75: {  	_ =	shalt  }
0x76: {  	_ =	shalt  }
0x77: {  	_ =	shalt  }
0x78: {  	_ =	shalt  }
0x79: {  	_ =	shalt  }
0x7a: {  	_ =	shalt  }
0x7b: {  	_ =	shalt  }
0x7c: {  	_ =	shalt  }
0x7d: {  	_ =	shalt  }
0x7e: {  	_ =	shalt  }
0x7f: {  	_ =	shalt  }
0x80: {  	_ =	shalt  }
0x81: {  	_ =	shalt  }
0x82: {  	_ =	shalt  }
0x83: {  	_ =	shalt  }
0x84: {  	_ =	shalt  }
0x85: {  	_ =	shalt  }
0x86: {  	_ =	shalt  }
0x87: {  	_ =	shalt  }
.Lfunc_end0:
.L_simem_size_0:
called_computation_lowered:
.L_overlay_start_0:
0x88: {  	s2 =	sld [smem:$0x3FD9]  }
0x89: {  	s3 =	sld [smem:$0x3FFE];
	_ =	sdelay $0x1  }
0x8a: {  	s1 =	srdreg.scid  }
0x8b: {  	s0 =	sand.u32 $0x1, s1  }
0x8c: {  	s17 =	sshll.u32 s0, $0xA;
	s2 =	sadd.s32 s3, s2  }
0x8d: {  	s2 =	sadd.s32 s2, s17  }
0x8e: {  	[smem:$0x3FC2] =	sst s2  }
0x8f: {  	_ = 	snop  }
0x90: {  	s2 =	sld [smem:$0x3FD0];
	(tm) =	ssettm $0x1  }
0x91: {  	s18 =	sld [smem:$0x3FFB];
	_ =	sdelay $0x3  }
0x92: {  	_ =	strace s18  }
0x93: {  	s3 =	sld [smem:$0x3FFC];
	_ =	sdelay $0x3  }
0x94: {  	_ =	strace s3  }
0x95: {  	s3 =	sld [smem:$0x3FFD];
	_ =	sdelay $0x3  }
0x96: {  	_ =	strace s3  }
0x97: {  	_ =	strace $0x8FFFFFFF  }
0x98: {  	s19 =	sld [smem:$0x3FDB];
	_ =	sdelay $0x1  }
0x99: {  	s4 =	simm.s32 $_scs_section_size  }
0x9a: {  	s5 =	simm.s32 $_size__tile_overlayer_lowered;
	s6 =	simm.s32 $_tile_overlayer_lowered  }
0x9b: {  	s22 =	simm.s32 $0x1BFF;
	s21 =	sshll.u32 s6, $0x1;
	s3 =	sadd.s32 s4, s19  }
0x9c: {  	s7 =	simm.s32 $0x0;
	s20 =	sshll.u32 s5, $0x1;
	s5 =	sadd.s32 s21, s3  }
0x9d: {  	[timem:s7], [sflag:s22] =	dma.local [hbm:s5], s20  }
0x9e: {  	_ =	swait.ge [sflag:s22], s20  }
0x9f: {  	s4 =	ssub.s32 $0x0, s20;
	[sflag:s22] =	ssyncset.done $0x0  }
0xa0: {  	[sflag:s22] =	ssyncadd.s32 s4;
	_ =	sdelay $0x1  }
0xa1: {  	s23 =	simm.s32 $0x1B8B  }
0xa2: {  	_ =	swait.ge [sflag:s23], $0x1  }
0xa3: {  	[sflag:s23] =	ssyncset.done $0x0  }
0xa4: {  	s25 =	simm.s32 $0x1B8E;
	s24 =	sld [smem:$0x3FFE];
	[sflag:s23] =	ssyncadd.s32 $0xFFFFFFFF  }
0xa5: {  	s26 =	simm.s32 $execute0_lowered;
	[smem:$0x3FD2] =	sst s25  }
0xa6: {  	s5 =	sshll.u32 s26, $0x1;
	_ =	strace $0x80000046;
	[dreg:$0x1] =	wrdreg $0xFFFFFFFF  }
0xa7: {  	s28 =	simm.s32 $_size_execute0_lowered;
	s3 =	sadd.s32 s3, s5;
	[dreg:$0x0] =	wrdreg $0x0  }
0xa8: {  	s5 =	sshll.u32 s28, $0x1;
	[dreg:$0x2] =	wrdreg s3  }
0xa9: {  	[dreg:$0x3] =	wrdreg s5  }
0xaa: {  	[dreg:$0x4] =	wrdreg $0xC0  }
0xab: {  	_ =	task [dreg:s7], $0x5FFFF  }
0xac: {  	[dreg:$0x1] =	wrdreg $0xFFFFFFFF  }
0xad: {  	[dreg:$0x0] =	wrdreg $0x60  }
0xae: {  	[dreg:$0x2] =	wrdreg s24  }
0xaf: {  	[dreg:$0x3] =	wrdreg s2  }
0xb0: {  	[dreg:$0x4] =	wrdreg $0xCE000  }
0xb1: {  	[dreg:$0x5] =	wrdreg $0x9  }
0xb2: {  	_ =	task.clear_ibuf [dreg:s7], $0x6FFFF;
	_ =	strace $0x90000046  }
0xb3: {  	s29 =	simm.s32 $0x9;
	_ =	strace $0x80000048  }
0xb4: {  	_ =	swait.ge [sflag:s29], $0x1  }
0xb5: {  	[sflag:s29] =	ssyncadd.s32 $0xFFFFFFFF  }
0xb6: {  	_ =	strace $0x90000048  }
0xb7: {  	_ =	sfence  }
0xb8: {  	s30 =	sld [smem:$0x0];
	_ =	sdelay $0x2  }
0xb9: {  	s31 =	sshll.u32 s1, $0xD;
	s1 =	sshrl.u32 s1, $0x2  }
0xba: {  	s3 =	sand.u32 $0x4000, s31;
	s1 =	sadd.s32 s1, s30  }
0xbb: {  	s0 =	sor.u32 s3, s0;
	s1 =	sshll.u32 s1, $0x11  }
0xbc: {  	s0 =	sor.u32 s1, s0  }
0xbd: {  	s0 =	sadd.s32 $0x8F2B, s0  }
0xbe: {  	[sflag:s0] =	ssyncadd.remote.s32 $0x1  }
0xbf: {  	_ =	sfence.sel $0xFFFF  }
0xc0: {  	[dreg:$0x0] =	wrdreg $0xFFFFFFFF;
	(pc) =	sbr.abs _section_cstart, $3  }
0xc1: {  	[dreg:$0x1] =	wrdreg $0xFFFFFFFF  }
0xc2: {  	_ =	task.clear_ibuf [dreg:s7], $0x2FFFF;
	_ =	strace $0x9FFFFFFF  }
0xc3: {  	(tm) =	ssettm $0x7FFFFFFF  }
tec
execute0_lowered:
.L_overlay_start_1:
0x0: {  	(tag) =	ssettag $0x1  }
0x1: {  	s0 =	rddreg [dreg:$0x0]  }
0x2: {  	s1 =	rddreg [dreg:$0x1]  }
0x3: {  	s2 =	rddreg [dreg:$0x2];
	s9 =	stileid.u32  }
0x4: {  	s4 =	srdreg.scid;
	s3 =	simm.s32 $0x0;
	s20 =	simm.s32 $0xBE00  }
0x5: {  	s21 =	simm.s32 $0x5;
	s22 =	simm.s32 $0x4F00;
	s23 =	simm.s32 $0x80  }
0x6: {  	s24 =	simm.s32 $0x9E00;
	s25 =	simm.s32 $0xAE00;
	s13 =	smul.u32 $0x4F00, s9  }
0x7: {  	s28 =	simm.s32 $0x3;
	s30 =	simm.s32 $0x2;
	s6 =	smul.u32 $0x14000, s9  }
0x8: {  	s8 =	sand.u32 $0x1, s4;
	[smem:$0x7FF] =	sst s3;
	s9 =	smul.u32 $0x28000, s9  }
0x9: {  	s4 =	sadd.s32 $0xC00, s0;
	s29 =	sadd.s32 $0xA00, s0;
	s5 =	smul.u32 $0x140000, s8  }
0xa: {  	_ =	strace $0x80000047;
	[dreg:$0x4] =	wrdreg s29;
	s10 =	ssub.s32 $0x2, s8  }
0xb: {  	s14 =	smul.u32 $0x4F000, s8;
	s7 =	sshrl.u32 s13, $0x3;
	s31 =	sshrl.u32 s10, $0x1  }
0xc: {  	s9 =	sshrl.u32 s9, $0x2;
	s17 =	sadd.s32 s7, s0;
	s26 =	sadd.s32 s6, s5  }
0xd: {  	s19 =	ssub.s32 s10, s31;
	s6 =	sshrl.u32 s6, $0x1;
	s15 =	sadd.s32 s9, s2  }
0xe: {  	s16 =	sadd.s32 s13, s14;
	s7 =	sshrl.u32 s26, $0x4;
	s6 =	sadd.s32 s6, s2  }
0xf: {  	s8 =	sadd.s32 $0x2000, s15;
	s9 =	sadd.s32 $0x3000, s15;
	s10 =	sadd.s32 $0x4000, s15  }
0x10: {  	s11 =	sadd.s32 $0x5000, s15;
	s12 =	sadd.s32 $0x6000, s15;
	s13 =	sadd.s32 $0x7000, s15  }
0x11: {  	s14 =	sadd.s32 $0x8000, s15;
	s16 =	sshrl.u32 s16, $0x3;
	s17 =	sadd.s32 $0x14600, s17  }
0x12: {  	s19 =	smax.u32 s19, $0x1;
	s26 =	simm.s32 $0x1;
	s0 =	sadd.s32 s7, s0  }
0x13: {  	s7 =	sadd.s32 $0x1000, s15;
	s15 =	sadd.s32 $0x9000, s15;
	s16 =	sadd.s32 s1, s16  }
0x14: {  	s1 =	simm.s32 $0x0;
	s18 =	sadd.s32 $0x1E400, s0;
	s0 =	simm.s32 $0x4  }
.LBB2_1:
0x15: {  	s5 =	rddreg [dreg:$0x4]  }
0x16: {  	[tilespmem:s20], [sflag:$0x5] =	stream.linear.gather [hbm4b:s5+s3], $0x1000, $0x38;
	[tilespmem:$0x16E00] =	vst v63  }
0x17: {  	_ =	swait.ge [sflag:s21], $0x1000  }
0x18: {  	[sflag:s21] =	ssyncset.done $0x0  }
0x19: {  	[sflag:s21] =	ssyncadd.s32 $0xFFFFF000  }
0x1a: {  	[spmem:s6] =	stream.linear.scatter [tilespmem:s20], [sflag:$0x5], $0x1000, $0x38;
	[tilespmem:$0x16E00] =	vst v63  }
0x1b: {  	_ =	swait.ge [sflag:s21], $0x1000  }
0x1c: {  	[sflag:s21] =	ssyncset.done $0x0  }
0x1d: {  	[sflag:s21] =	ssyncadd.s32 $0xFFFFF000  }
0x1e: {  	[spmem:s7] =	stream.linear.scatter [tilespmem:s20], [sflag:$0x5], $0x1000, $0x38;
	[tilespmem:$0x16E00] =	vst v63  }
0x1f: {  	_ =	swait.ge [sflag:s21], $0x1000  }
0x20: {  	[sflag:s21] =	ssyncset.done $0x0  }
0x21: {  	[sflag:s21] =	ssyncadd.s32 $0xFFFFF000  }
0x22: {  	[spmem:s8] =	stream.linear.scatter [tilespmem:s20], [sflag:$0x5], $0x1000, $0x38;
	[tilespmem:$0x16E00] =	vst v63  }
0x23: {  	_ =	swait.ge [sflag:s21], $0x1000  }
0x24: {  	[sflag:s21] =	ssyncset.done $0x0  }
0x25: {  	[sflag:s21] =	ssyncadd.s32 $0xFFFFF000  }
0x26: {  	[spmem:s9] =	stream.linear.scatter [tilespmem:s20], [sflag:$0x5], $0x1000, $0x38;
	[tilespmem:$0x16E00] =	vst v63  }
0x27: {  	_ =	swait.ge [sflag:s21], $0x1000  }
0x28: {  	[sflag:s21] =	ssyncset.done $0x0  }
0x29: {  	[sflag:s21] =	ssyncadd.s32 $0xFFFFF000  }
0x2a: {  	[spmem:s10] =	stream.linear.scatter [tilespmem:s20], [sflag:$0x5], $0x1000, $0x38;
	[tilespmem:$0x16E00] =	vst v63  }
0x2b: {  	_ =	swait.ge [sflag:s21], $0x1000  }
0x2c: {  	[sflag:s21] =	ssyncset.done $0x0  }
0x2d: {  	[sflag:s21] =	ssyncadd.s32 $0xFFFFF000  }
0x2e: {  	[spmem:s11] =	stream.linear.scatter [tilespmem:s20], [sflag:$0x5], $0x1000, $0x38;
	[tilespmem:$0x16E00] =	vst v63  }
0x2f: {  	_ =	swait.ge [sflag:s21], $0x1000  }
0x30: {  	[sflag:s21] =	ssyncset.done $0x0  }
0x31: {  	[sflag:s21] =	ssyncadd.s32 $0xFFFFF000  }
0x32: {  	[spmem:s12] =	stream.linear.scatter [tilespmem:s20], [sflag:$0x5], $0x1000, $0x38;
	[tilespmem:$0x16E00] =	vst v63  }
0x33: {  	_ =	swait.ge [sflag:s21], $0x1000  }
0x34: {  	[sflag:s21] =	ssyncset.done $0x0  }
0x35: {  	[sflag:s21] =	ssyncadd.s32 $0xFFFFF000  }
0x36: {  	[spmem:s13] =	stream.linear.scatter [tilespmem:s20], [sflag:$0x5], $0x1000, $0x38;
	[tilespmem:$0x16E00] =	vst v63  }
0x37: {  	_ =	swait.ge [sflag:s21], $0x1000  }
0x38: {  	[sflag:s21] =	ssyncset.done $0x0  }
0x39: {  	[sflag:s21] =	ssyncadd.s32 $0xFFFFF000  }
0x3a: {  	[spmem:s14] =	stream.linear.scatter [tilespmem:s20], [sflag:$0x5], $0x1000, $0x38;
	[tilespmem:$0x16E00] =	vst v63  }
0x3b: {  	_ =	swait.ge [sflag:s21], $0x1000  }
0x3c: {  	[sflag:s21] =	ssyncset.done $0x0  }
0x3d: {  	[sflag:s21] =	ssyncadd.s32 $0xFFFFF000  }
0x3e: {  	[spmem:s15] =	stream.linear.scatter [tilespmem:s20], [sflag:$0x5], $0x1000, $0x38;
	[tilespmem:$0x16E00] =	vst v63  }
0x3f: {  	_ =	swait.ge [sflag:s21], $0x1000  }
0x40: {  	[sflag:s21] =	ssyncset.done $0x0  }
0x41: {  	[sflag:s21] =	ssyncadd.s32 $0xFFFFF000  }
0x42: {  	[bflag:$0x0] =	sbarrier.arrive $0xFFFF  }
0x43: {  	[tilespmem:s3], [sflag:$0x5] =	stream.linear.gather [hbm4b:s16+s3], $0x4F00, $0x38;
	[tilespmem:$0x16E00] =	vst v63  }
0x44: {  	_ =	swait.ge [sflag:s21], $0x4F00  }
0x45: {  	[sflag:s21] =	ssyncset.done $0x0  }
0x46: {  	[sflag:s21] =	ssyncadd.s32 $0xFFFFB100  }
0x47: {  	[tilespmem:s22], [sflag:$0x5] =	stream.linear.gather [hbm4b:s17+s3], $0x4F00, $0x38;
	[tilespmem:$0x16E00] =	vst v63  }
0x48: {  	_ =	swait.ge [sflag:s21], $0x4F00  }
0x49: {  	[sflag:s21] =	ssyncset.done $0x0  }
0x4a: {  	[sflag:s21] =	ssyncadd.s32 $0xFFFFB100  }
0x4b: {  	[tilespmem:s24], [sflag:$0x1] =	stream.indirect.gather [hbm4b:s4+s23], $0x20, s3, s23, $0xb8;
	[tilespmem:$0x16E00] =	vst v63  }
0x4c: {  	_ = 	snop  }
0x4d: {  	[tilespmem:s25], [sflag:$0x2] =	stream.indirect.gather [hbm4b:s4+s23], $0x20, s23, s23, $0xb8;
	[tilespmem:$0x16E00] =	vst v63  }
0x4e: {  	_ =	swait.ge [sflag:s26], $0x1000  }
0x4f: {  	[sflag:s26] =	ssyncset.done $0x0  }
0x50: {  	[sflag:s26] =	ssyncadd.s32 $0xFFFFF000  }
0x51: {  	[spmem:s2] =	stream.indirect.scatter.add.bf16 [tilespmem:s24], [sflag:$0x3], $0x20, s22, s23, $0xb8;
	[tilespmem:$0x16E00] =	vst v63  }
0x52: {  	_ =	swait.ge [sflag:s28], $0x1000  }
0x53: {  	[sflag:s28] =	ssyncset.done $0x0  }
0x54: {  	s5 =	simm.s32 $0x100;
	[sflag:s28] =	ssyncadd.s32 $0xFFFFF000  }
0x55: {  	[tilespmem:s24], [sflag:$0x1] =	stream.indirect.gather [hbm4b:s4+s23], $0x20, s5, s23, $0xb8;
	[tilespmem:$0x16E00] =	vst v63  }
0x56: {  	_ =	swait.ge [sflag:s30], $0x1000  }
0x57: {  	[sflag:s30] =	ssyncset.done $0x0  }
0x58: {  	s5 =	simm.s32 $0x4F80;
	[sflag:s30] =	ssyncadd.s32 $0xFFFFF000  }
0x59: {  	[spmem:s2] =	stream.indirect.scatter.add.bf16 [tilespmem:s25], [sflag:$0x4], $0x20, s5, s23, $0xb8;
	[tilespmem:$0x16E00] =	vst v63  }
0x5a: {  	_ =	swait.ge [sflag:s0], $0x1000  }
0x5b: {  	[sflag:s0] =	ssyncset.done $0x0  }
0x5c: {  	s29 =	simm.s32 $0x180;
	[sflag:s0] =	ssyncadd.s32 $0xFFFFF000  }
0x5d: {  	[tilespmem:s25], [sflag:$0x2] =	stream.indirect.gather [hbm4b:s4+s23], $0x20, s29, s23, $0xb8;
	[tilespmem:$0x16E00] =	vst v63  }
0x5e: {  	_ =	swait.ge [sflag:s26], $0x1000  }
0x5f: {  	[sflag:s26] =	ssyncset.done $0x0  }
0x60: {  	s29 =	simm.s32 $0x5000;
	[sflag:s26] =	ssyncadd.s32 $0xFFFFF000  }
0x61: {  	[spmem:s2] =	stream.indirect.scatter.add.bf16 [tilespmem:s24], [sflag:$0x3], $0x20, s29, s23, $0xb8;
	[tilespmem:$0x16E00] =	vst v63  }
0x62: {  	_ =	swait.ge [sflag:s28], $0x1000  }
0x63: {  	[sflag:s28] =	ssyncset.done $0x0  }
0x64: {  	s29 =	simm.s32 $0x200;
	[sflag:s28] =	ssyncadd.s32 $0xFFFFF000  }
0x65: {  	[tilespmem:s24], [sflag:$0x1] =	stream.indirect.gather [hbm4b:s4+s23], $0x20, s29, s23, $0xb8;
	[tilespmem:$0x16E00] =	vst v63  }
0x66: {  	_ =	swait.ge [sflag:s30], $0x1000  }
0x67: {  	[sflag:s30] =	ssyncset.done $0x0  }
0x68: {  	s31 =	simm.s32 $0x5080;
	s29 =	simm.s32 $0xFFFED000;
	[sflag:s30] =	ssyncadd.s32 $0xFFFFF000  }
.LBB2_2:
0x69: {  	[spmem:s2] =	stream.indirect.scatter.add.bf16 [tilespmem:s25], [sflag:$0x4], $0x20, s31, s23, $0xb8;
	[tilespmem:$0x16E00] =	vst v63  }
0x6a: {  	s31 =	smov.u32 s29  }
0x6b: {  	p0 =	sne.s32 s29, $0xFFFFFC00;
	s29 =	sadd.s32 $0x400, s29;
	_ =	swait.ge [sflag:s0], $0x1000  }
0x6c: {  	s31 =	sshra.s32 s31, $0x2;
	[sflag:s0] =	ssyncset.done $0x0  }
0x6d: {  	s5 =	sadd.s32 $0x4E80, s31;
	[sflag:s0] =	ssyncadd.s32 $0xFFFFF000  }
0x6e: {  	[tilespmem:s25], [sflag:$0x2] =	stream.indirect.gather [hbm4b:s4+s23], $0x20, s5, s23, $0xb8;
	[tilespmem:$0x16E00] =	vst v63  }
0x6f: {  	_ =	swait.ge [sflag:s26], $0x1000  }
0x70: {  	[sflag:s26] =	ssyncset.done $0x0  }
0x71: {  	s5 =	sadd.s32 $0x9D00, s31;
	[sflag:s26] =	ssyncadd.s32 $0xFFFFF000  }
0x72: {  	[spmem:s2] =	stream.indirect.scatter.add.bf16 [tilespmem:s24], [sflag:$0x3], $0x20, s5, s23, $0xb8;
	[tilespmem:$0x16E00] =	vst v63  }
0x73: {  	_ =	swait.ge [sflag:s28], $0x1000  }
0x74: {  	[sflag:s28] =	ssyncset.done $0x0  }
.Ltmp0:
0x75: {  	s5 =	sadd.s32 $0x4F00, s31;
	[sflag:s28] =	ssyncadd.s32 $0xFFFFF000;
	(pc) =	sbr.rel @p0 .LBB2_2-.Ltmp0, $4  }
0x76: {  	[tilespmem:s24], [sflag:$0x1] =	stream.indirect.gather [hbm4b:s4+s23], $0x20, s5, s23, $0xb8;
	[tilespmem:$0x16E00] =	vst v63  }
0x77: {  	_ =	swait.ge [sflag:s30], $0x1000  }
0x78: {  	[sflag:s30] =	ssyncset.done $0x0  }
0x79: {  	s31 =	sadd.s32 $0x9D80, s31;
	[sflag:s30] =	ssyncadd.s32 $0xFFFFF000  }
0x7a: {  	[spmem:s2] =	stream.indirect.scatter.add.bf16 [tilespmem:s25], [sflag:$0x4], $0x20, s31, s23, $0xb8;
	[tilespmem:$0x16E00] =	vst v63  }
0x7b: {  	_ =	swait.ge [sflag:s0], $0x1000  }
0x7c: {  	[sflag:s0] =	ssyncset.done $0x0  }
0x7d: {  	s5 =	simm.s32 $0x4E80;
	[sflag:s0] =	ssyncadd.s32 $0xFFFFF000  }
0x7e: {  	[tilespmem:s25], [sflag:$0x2] =	stream.indirect.gather [hbm4b:s4+s23], $0x20, s5, s23, $0xb8;
	[tilespmem:$0x16E00] =	vst v63  }
0x7f: {  	_ =	swait.ge [sflag:s26], $0x1000  }
0x80: {  	[sflag:s26] =	ssyncset.done $0x0  }
0x81: {  	s31 =	simm.s32 $0x9D00;
	[sflag:s26] =	ssyncadd.s32 $0xFFFFF000  }
0x82: {  	[spmem:s2] =	stream.indirect.scatter.add.bf16 [tilespmem:s24], [sflag:$0x3], $0x20, s31, s23, $0xb8;
	[tilespmem:$0x16E00] =	vst v63  }
0x83: {  	_ =	swait.ge [sflag:s28], $0x1000  }
0x84: {  	[sflag:s28] =	ssyncset.done $0x0  }
0x85: {  	[sflag:s28] =	ssyncadd.s32 $0xFFFFF000  }
0x86: {  	_ =	swait.ge [sflag:s30], $0x1000  }
0x87: {  	[sflag:s30] =	ssyncset.done $0x0  }
0x88: {  	s29 =	simm.s32 $0x9D80;
	[sflag:s30] =	ssyncadd.s32 $0xFFFFF000  }
0x89: {  	[spmem:s2] =	stream.indirect.scatter.add.bf16 [tilespmem:s25], [sflag:$0x4], $0x20, s29, s23, $0xb8;
	[tilespmem:$0x16E00] =	vst v63  }
0x8a: {  	s31 =	stileid.u32;
	_ =	swait.ge [sflag:s0], $0x1000  }
0x8b: {  	s1 =	sadd.s32 $0x1, s1;
	s5 =	sshll.u32 s31, $0x6;
	[sflag:s0] =	ssyncset.done $0x0  }
0x8c: {  	p0 =	sne.s32 s1, s19;
	s5 =	sor.u32 $0x1C05, s5;
	[sflag:s0] =	ssyncadd.s32 $0xFFFFF000  }
.Ltmp1:
0x8d: {  	s29 =	sshrl.u32 s6, $0x3;
	[bflag:$0x0] =	sbarrier.arrive $0xFFFF;
	(pc) =	sbr.rel @p0 .LBB2_1-.Ltmp1, $4  }
0x8e: {  	[hbm:s18], [sflag:s5] =	dma.local [spmem:s29], $0x1400  }
0x8f: {  	_ =	swait.ge [sflag:s21], $0x1400  }
0x90: {  	[sflag:s21] =	ssyncset.done $0x0  }
0x91: {  	[sflag:s21] =	ssyncadd.s32 $0xFFFFEC00  }
0x92: {  	_ =	sfence.sel $0x180000  }
0x93: {  	[bflag:$0x0] =	sbarrier.arrive $0xFFFF  }
0x94: {  	_ =	strace $0x90000047  }
0x95: {  	s0 =	stileid.u32;
	[bflag:$0x2] =	sbarrier.arrive $0xFFFF  }
0x96: {  	p0 =	sne.s32 s0, $0x0;
	s0 =	rddreg [dreg:$0x3]  }
0x97: {  	s0 =	sadd.s32 @!p0 $0x100000, s0  }
0x98: {  	[sflag:s0] =	ssyncadd.tile.s32 @!p0 $0x1;
	_ =	shalt  }
.Lfunc_end2:
_tile_overlayer_lowered:
.L_overlay_start_2:
0x99: {  	(tag) =	ssettag $0x2  }
0x9a: {  	s0 =	rddreg [dreg:$0x0];
	s2 =	stileid.u32  }
0x9b: {  	s1 =	rddreg [dreg:$0x1];
	p0 =	sne.s32 s2, $0x0  }
0x9c: {  	s3 =	rddreg [dreg:$0x2];
	[bflag:$0x3] =	sbarrier.arrive $0xFFFF;
	s2 =	simm.s32 @!p0 $0x1C05  }
0x9d: {  	[timem:s3], [sflag:s2] =	dma.local @!p0 [hbm:s0], s1  }
0x9e: {  	s0 =	simm.s32 @!p0 $0x5  }
0x9f: {  	_ =	swait.ge @!p0 [sflag:s0], s1  }
0xa0: {  	s1 =	ssub.s32 @!p0 $0x0, s1;
	[sflag:s0] =	ssyncset.done @!p0 $0x0  }
0xa1: {  	[sflag:s0] =	ssyncadd.s32 @!p0 s1  }
0xa2: {  	[bflag:$0x3] =	sbarrier.arrive $0xFFFF  }
0xa3: {  	_ =	shalt  }

// kernel: kernel.9.cloned.1.call-start
scs
__scs_entry_jumppad:
0x0: {  	(pc) =	sbr.rel $0x88, $3  }
0x1: {  	(tag) =	ssettag $0x0;
	lr =	simm.s32 $0x1  }
0x2: {  	[smem:$0x3F9B] =	sst lr;
	_ =	strace $0xD0000000  }
0x3: {  	_ = 	snop  }
0x4: {  	_ = 	snop  }
0x5: {  	_ = 	snop  }
0x6: {  	_ = 	snop  }
0x7: {  	_ = 	snop  }
__scs_overlays_trampoline_lowered:
0x8: {  	[smem:$0x3FAA] =	sst s0  }
0x9: {  	[smem:$0x3FAB] =	sst s1  }
0xa: {  	[smem:$0x3FAC] =	sst s2  }
0xb: {  	[smem:$0x3FAD] =	sst s3  }
0xc: {  	[smem:$0x3FAE] =	sst s4  }
0xd: {  	[smem:$0x3FAF] =	sst s5  }
0xe: {  	[smem:$0x3FB0] =	sst s6  }
0xf: {  	[smem:$0x3FB1] =	sst s7  }
0x10: {  	[smem:$0x3FB2] =	sst s8  }
0x11: {  	[smem:$0x3FB3] =	sst s9;
	s0 =	simm.s32 @!p0 $0x0  }
0x12: {  	s1 =	sld [smem:$0x3F99];
	s0 =	simm.s32 @p0 $0x1  }
0x13: {  	[smem:$0x3FB4] =	sst s0;
	s0 =	simm.s32 @!p1 $0x0  }
0x14: {  	s2 =	sld [smem:$0x3F98];
	s0 =	simm.s32 @p1 $0x1  }
0x15: {  	[smem:$0x3FB5] =	sst s0;
	s0 =	simm.s32 @!p2 $0x0  }
0x16: {  	s3 =	sld [smem:$0x3FDB];
	s0 =	simm.s32 @p2 $0x1  }
0x17: {  	s4 =	simm.s32 $0x1BF5;
	[smem:$0x3FB7] =	sst s0  }
0x18: {  	s0 =	sld [smem:$0x3F9A];
	_ =	swait.ge [sflag:s4], $0x0  }
0x19: {  	s7 =	sld [smem:$0x3F9B]  }
0x1a: {  	s8 =	sadd.s32 $0xFFFFE003, lr  }
0x1b: {  	s9 =	sadd.s32 $0xFFFFFEF7, lr;
	s5 =	simm.s32 $0xFFFFFFFF;
	p2 =	slt.u32 s8, $0xFFFFF086  }
0x1c: {  	p1 =	slt.u32 s9, $0xF7A;
	s5 =	simm.s32 @!p2 $0x0  }
0x1d: {  	s5 =	simm.s32 @p1 $0x1;
	p0 =	seq.s32 s7, s2  }
0x1e: {  	s7 =	smul.u32 @!p0 $0xF7A, s2;
	p2 =	seq.s32 @!p0 s5, $0x0  }
0x1f: {  	s9 =	smul.u32 $0xF7A, s1;
	s8 =	simm.s32 @!p0 $0x1BF5;
	p2 =	por !p2, p0  }
0x20: {  	[sflag:s8] =	ssyncset.s32 @!p0 $0xFFFFF086;
	s6 =	sadd.s32 @!p0 s3, s7;
	s7 =	simm.s32 @!p0 $0x108  }
0x21: {  	s3 =	sadd.s32 s3, s9;
	s6 =	sadd.s32 @!p0 $0x88, s6;
	s7 =	simm.s32 @p2 $0x1082  }
0x22: {  	[simem:s7], [sflag:s8] =	dma.local @!p0 [hbm:s6], $0xF7A  }
0x23: {  	s9 =	sor.u32 $0xD0000000, s2;
	s6 =	simm.s32 $0x108;
	_ =	swait.ge @!p0 [sflag:s8], $0x0  }
0x24: {  	s3 =	sadd.s32 $0x88, s3;
	s6 =	simm.s32 @!p1 $0x1082;
	[sflag:s4] =	ssyncset.s32 $0xFFFFF086  }
0x25: {  	[simem:s6], [sflag:s4] =	dma.local [hbm:s3], $0xF7A  }
0x26: {  	[smem:$0x3F9B] =	sst s1;
	(tag) =	ssettag s2;
	_ =	strace s9  }
0x27: {  	s1 =	sld [smem:$0x3FAB]  }
0x28: {  	s2 =	sld [smem:$0x3FAC]  }
0x29: {  	s4 =	sld [smem:$0x3FAE]  }
0x2a: {  	p0 =	seq.s32 s5, $0x0;
	s5 =	sld [smem:$0x3FAF]  }
0x2b: {  	s6 =	sld [smem:$0x3FB0]  }
0x2c: {  	s7 =	sld [smem:$0x3FB1]  }
0x2d: {  	s3 =	simm.s32 $0x108;
	s8 =	sld [smem:$0x3FB2]  }
0x2e: {  	s3 =	simm.s32 @!p0 $0x1082;
	s9 =	sld [smem:$0x3FB3]  }
0x2f: {  	lr =	sadd.s32 s0, s3;
	s0 =	sld [smem:$0x3FAA]  }
0x30: {  	s3 =	sld [smem:$0x3FAD]  }
0x31: {  	[smem:$0x3FB6] =	sst s10  }
0x32: {  	s10 =	sld [smem:$0x3FB4];
	_ =	sdelay $0x3  }
0x33: {  	p0 =	seq.s32 s10, $0x1;
	s10 =	sld [smem:$0x3FB6];
	_ =	sdelay $0x3  }
0x34: {  	[smem:$0x3FB6] =	sst s10  }
0x35: {  	s10 =	sld [smem:$0x3FB5];
	_ =	sdelay $0x3  }
0x36: {  	p1 =	seq.s32 s10, $0x1;
	s10 =	sld [smem:$0x3FB6];
	_ =	sdelay $0x3  }
0x37: {  	[smem:$0x3FB6] =	sst s10  }
0x38: {  	s10 =	sld [smem:$0x3FB7]  }
0x39: {  	_ = 	snop;
	(pc) =	sbr.ind lr, $3  }
0x3a: {  	_ = 	snop  }
0x3b: {  	_ = 	snop  }
0x3c: {  	p2 =	seq.s32 s10, $0x1;
	s10 =	sld [smem:$0x3FB6]  }
0x3d: {  	_ =	shalt  }
0x3e: {  	_ =	shalt  }
0x3f: {  	_ =	shalt  }
0x40: {  	_ =	shalt  }
0x41: {  	_ =	shalt  }
0x42: {  	_ =	shalt  }
0x43: {  	_ =	shalt  }
0x44: {  	_ =	shalt  }
0x45: {  	_ =	shalt  }
0x46: {  	_ =	shalt  }
0x47: {  	_ =	shalt  }
0x48: {  	_ =	shalt  }
0x49: {  	_ =	shalt  }
0x4a: {  	_ =	shalt  }
0x4b: {  	_ =	shalt  }
0x4c: {  	_ =	shalt  }
0x4d: {  	_ =	shalt  }
0x4e: {  	_ =	shalt  }
0x4f: {  	_ =	shalt  }
0x50: {  	_ =	shalt  }
0x51: {  	_ =	shalt  }
0x52: {  	_ =	shalt  }
0x53: {  	_ =	shalt  }
0x54: {  	_ =	shalt  }
0x55: {  	_ =	shalt  }
0x56: {  	_ =	shalt  }
0x57: {  	_ =	shalt  }
0x58: {  	_ =	shalt  }
0x59: {  	_ =	shalt  }
0x5a: {  	_ =	shalt  }
0x5b: {  	_ =	shalt  }
0x5c: {  	_ =	shalt  }
0x5d: {  	_ =	shalt  }
0x5e: {  	_ =	shalt  }
0x5f: {  	_ =	shalt  }
0x60: {  	_ =	shalt  }
0x61: {  	_ =	shalt  }
0x62: {  	_ =	shalt  }
0x63: {  	_ =	shalt  }
0x64: {  	_ =	shalt  }
0x65: {  	_ =	shalt  }
0x66: {  	_ =	shalt  }
0x67: {  	_ =	shalt  }
0x68: {  	_ =	shalt  }
0x69: {  	_ =	shalt  }
0x6a: {  	_ =	shalt  }
0x6b: {  	_ =	shalt  }
0x6c: {  	_ =	shalt  }
0x6d: {  	_ =	shalt  }
0x6e: {  	_ =	shalt  }
0x6f: {  	_ =	shalt  }
0x70: {  	_ =	shalt  }
0x71: {  	_ =	shalt  }
0x72: {  	_ =	shalt  }
0x73: {  	_ =	shalt  }
0x74: {  	_ =	shalt  }
0x75: {  	_ =	shalt  }
0x76: {  	_ =	shalt  }
0x77: {  	_ =	shalt  }
0x78: {  	_ =	shalt  }
0x79: {  	_ =	shalt  }
0x7a: {  	_ =	shalt  }
0x7b: {  	_ =	shalt  }
0x7c: {  	_ =	shalt  }
0x7d: {  	_ =	shalt  }
0x7e: {  	_ =	shalt  }
0x7f: {  	_ =	shalt  }
0x80: {  	_ =	shalt  }
0x81: {  	_ =	shalt  }
0x82: {  	_ =	shalt  }
0x83: {  	_ =	shalt  }
0x84: {  	_ =	shalt  }
0x85: {  	_ =	shalt  }
0x86: {  	_ =	shalt  }
0x87: {  	_ =	shalt  }
.Lfunc_end0:
.L_simem_size_0:
called_computation.1_lowered:
.L_overlay_start_0:
0x88: {  	s2 =	sld [smem:$0x3FD9]  }
0x89: {  	s3 =	sld [smem:$0x3FFE];
	_ =	sdelay $0x1  }
0x8a: {  	s1 =	srdreg.scid  }
0x8b: {  	s0 =	sand.u32 $0x1, s1  }
0x8c: {  	s17 =	sshll.u32 s0, $0xA;
	s2 =	sadd.s32 s3, s2  }
0x8d: {  	s2 =	sadd.s32 s2, s17  }
0x8e: {  	[smem:$0x3FC2] =	sst s2  }
0x8f: {  	_ = 	snop  }
0x90: {  	s2 =	sld [smem:$0x3FD0];
	(tm) =	ssettm $0x1  }
0x91: {  	s18 =	sld [smem:$0x3FFB];
	_ =	sdelay $0x3  }
0x92: {  	_ =	strace s18  }
0x93: {  	s3 =	sld [smem:$0x3FFC];
	_ =	sdelay $0x3  }
0x94: {  	_ =	strace s3  }
0x95: {  	s3 =	sld [smem:$0x3FFD];
	_ =	sdelay $0x3  }
0x96: {  	_ =	strace s3  }
0x97: {  	_ =	strace $0x8FFFFFFF  }
0x98: {  	s19 =	sld [smem:$0x3FDB];
	_ =	sdelay $0x1  }
0x99: {  	s4 =	simm.s32 $_scs_section_size  }
0x9a: {  	s5 =	simm.s32 $_size__tile_overlayer_lowered;
	s6 =	simm.s32 $_tile_overlayer_lowered  }
0x9b: {  	s22 =	simm.s32 $0x1BFF;
	s21 =	sshll.u32 s6, $0x1;
	s3 =	sadd.s32 s4, s19  }
0x9c: {  	s7 =	simm.s32 $0x0;
	s20 =	sshll.u32 s5, $0x1;
	s5 =	sadd.s32 s21, s3  }
0x9d: {  	[timem:s7], [sflag:s22] =	dma.local [hbm:s5], s20  }
0x9e: {  	_ =	swait.ge [sflag:s22], s20  }
0x9f: {  	s4 =	ssub.s32 $0x0, s20;
	[sflag:s22] =	ssyncset.done $0x0  }
0xa0: {  	[sflag:s22] =	ssyncadd.s32 s4;
	_ =	sdelay $0x1  }
0xa1: {  	s23 =	simm.s32 $0x1B8B  }
0xa2: {  	_ =	swait.ge [sflag:s23], $0x1  }
0xa3: {  	[sflag:s23] =	ssyncset.done $0x0  }
0xa4: {  	s25 =	simm.s32 $0x1B8E;
	s24 =	sld [smem:$0x3FFE];
	[sflag:s23] =	ssyncadd.s32 $0xFFFFFFFF  }
0xa5: {  	s26 =	simm.s32 $execute0_lowered;
	[smem:$0x3FD2] =	sst s25  }
0xa6: {  	s5 =	sshll.u32 s26, $0x1;
	_ =	strace $0x80000049;
	[dreg:$0x1] =	wrdreg $0xFFFFFFFF  }
0xa7: {  	s28 =	simm.s32 $_size_execute0_lowered;
	s3 =	sadd.s32 s3, s5;
	[dreg:$0x0] =	wrdreg $0x0  }
0xa8: {  	s5 =	sshll.u32 s28, $0x1;
	[dreg:$0x2] =	wrdreg s3  }
0xa9: {  	[dreg:$0x3] =	wrdreg s5  }
0xaa: {  	[dreg:$0x4] =	wrdreg $0xC0  }
0xab: {  	_ =	task [dreg:s7], $0x5FFFF  }
0xac: {  	[dreg:$0x1] =	wrdreg $0xFFFFFFFF  }
0xad: {  	[dreg:$0x0] =	wrdreg $0x60  }
0xae: {  	[dreg:$0x2] =	wrdreg s24  }
0xaf: {  	[dreg:$0x3] =	wrdreg s2  }
0xb0: {  	[dreg:$0x4] =	wrdreg $0xCE000  }
0xb1: {  	[dreg:$0x5] =	wrdreg $0x9  }
0xb2: {  	_ =	task.clear_ibuf [dreg:s7], $0x6FFFF;
	_ =	strace $0x90000049  }
0xb3: {  	s29 =	simm.s32 $0x9;
	_ =	strace $0x8000004B  }
0xb4: {  	_ =	swait.ge [sflag:s29], $0x1  }
0xb5: {  	[sflag:s29] =	ssyncadd.s32 $0xFFFFFFFF  }
0xb6: {  	_ =	strace $0x9000004B  }
0xb7: {  	_ =	sfence  }
0xb8: {  	s30 =	sld [smem:$0x0];
	_ =	sdelay $0x2  }
0xb9: {  	s31 =	sshll.u32 s1, $0xD;
	s1 =	sshrl.u32 s1, $0x2  }
0xba: {  	s3 =	sand.u32 $0x4000, s31;
	s1 =	sadd.s32 s1, s30  }
0xbb: {  	s0 =	sor.u32 s3, s0;
	s1 =	sshll.u32 s1, $0x11  }
0xbc: {  	s0 =	sor.u32 s1, s0  }
0xbd: {  	s0 =	sadd.s32 $0x8F2B, s0  }
0xbe: {  	[sflag:s0] =	ssyncadd.remote.s32 $0x1  }
0xbf: {  	_ =	sfence.sel $0xFFFF  }
0xc0: {  	[dreg:$0x0] =	wrdreg $0xFFFFFFFF;
	(pc) =	sbr.abs _section_cstart, $3  }
0xc1: {  	[dreg:$0x1] =	wrdreg $0xFFFFFFFF  }
0xc2: {  	_ =	task.clear_ibuf [dreg:s7], $0x2FFFF;
	_ =	strace $0x9FFFFFFF  }
0xc3: {  	(tm) =	ssettm $0x7FFFFFFF  }
tec
execute0_lowered:
.L_overlay_start_1:
0x0: {  	(tag) =	ssettag $0x1  }
0x1: {  	s0 =	rddreg [dreg:$0x0]  }
0x2: {  	s1 =	rddreg [dreg:$0x1]  }
0x3: {  	s2 =	rddreg [dreg:$0x2];
	s9 =	stileid.u32  }
0x4: {  	s4 =	srdreg.scid;
	s3 =	simm.s32 $0x0;
	s20 =	simm.s32 $0xBE00  }
0x5: {  	s21 =	simm.s32 $0x5;
	s22 =	simm.s32 $0x4F00;
	s23 =	simm.s32 $0x80  }
0x6: {  	s24 =	simm.s32 $0x9E00;
	s25 =	simm.s32 $0xAE00;
	s13 =	smul.u32 $0x4F00, s9  }
0x7: {  	s28 =	simm.s32 $0x3;
	s30 =	simm.s32 $0x2;
	s6 =	smul.u32 $0x14000, s9  }
0x8: {  	s8 =	sand.u32 $0x1, s4;
	[smem:$0x7FF] =	sst s3;
	s9 =	smul.u32 $0x28000, s9  }
0x9: {  	s4 =	sadd.s32 $0xC00, s0;
	s29 =	sadd.s32 $0xA00, s0;
	s5 =	smul.u32 $0x140000, s8  }
0xa: {  	_ =	strace $0x8000004A;
	[dreg:$0x4] =	wrdreg s29;
	s10 =	ssub.s32 $0x2, s8  }
0xb: {  	s14 =	smul.u32 $0x4F000, s8;
	s7 =	sshrl.u32 s13, $0x3;
	s31 =	sshrl.u32 s10, $0x1  }
0xc: {  	s9 =	sshrl.u32 s9, $0x2;
	s17 =	sadd.s32 s7, s0;
	s26 =	sadd.s32 s6, s5  }
0xd: {  	s19 =	ssub.s32 s10, s31;
	s6 =	sshrl.u32 s6, $0x1;
	s15 =	sadd.s32 s9, s2  }
0xe: {  	s16 =	sadd.s32 s13, s14;
	s7 =	sshrl.u32 s26, $0x4;
	s6 =	sadd.s32 s6, s2  }
0xf: {  	s8 =	sadd.s32 $0x2000, s15;
	s9 =	sadd.s32 $0x3000, s15;
	s10 =	sadd.s32 $0x4000, s15  }
0x10: {  	s11 =	sadd.s32 $0x5000, s15;
	s12 =	sadd.s32 $0x6000, s15;
	s13 =	sadd.s32 $0x7000, s15  }
0x11: {  	s14 =	sadd.s32 $0x8000, s15;
	s16 =	sshrl.u32 s16, $0x3;
	s17 =	sadd.s32 $0x14600, s17  }
0x12: {  	s19 =	smax.u32 s19, $0x1;
	s26 =	simm.s32 $0x1;
	s0 =	sadd.s32 s7, s0  }
0x13: {  	s7 =	sadd.s32 $0x1000, s15;
	s15 =	sadd.s32 $0x9000, s15;
	s16 =	sadd.s32 s1, s16  }
0x14: {  	s1 =	simm.s32 $0x0;
	s18 =	sadd.s32 $0x1E400, s0;
	s0 =	simm.s32 $0x4  }
.LBB2_1:
0x15: {  	s5 =	rddreg [dreg:$0x4]  }
0x16: {  	[tilespmem:s20], [sflag:$0x5] =	stream.linear.gather [hbm4b:s5+s3], $0x1000, $0x38;
	[tilespmem:$0x16E00] =	vst v63  }
0x17: {  	_ =	swait.ge [sflag:s21], $0x1000  }
0x18: {  	[sflag:s21] =	ssyncset.done $0x0  }
0x19: {  	[sflag:s21] =	ssyncadd.s32 $0xFFFFF000  }
0x1a: {  	[spmem:s6] =	stream.linear.scatter [tilespmem:s20], [sflag:$0x5], $0x1000, $0x38;
	[tilespmem:$0x16E00] =	vst v63  }
0x1b: {  	_ =	swait.ge [sflag:s21], $0x1000  }
0x1c: {  	[sflag:s21] =	ssyncset.done $0x0  }
0x1d: {  	[sflag:s21] =	ssyncadd.s32 $0xFFFFF000  }
0x1e: {  	[spmem:s7] =	stream.linear.scatter [tilespmem:s20], [sflag:$0x5], $0x1000, $0x38;
	[tilespmem:$0x16E00] =	vst v63  }
0x1f: {  	_ =	swait.ge [sflag:s21], $0x1000  }
0x20: {  	[sflag:s21] =	ssyncset.done $0x0  }
0x21: {  	[sflag:s21] =	ssyncadd.s32 $0xFFFFF000  }
0x22: {  	[spmem:s8] =	stream.linear.scatter [tilespmem:s20], [sflag:$0x5], $0x1000, $0x38;
	[tilespmem:$0x16E00] =	vst v63  }
0x23: {  	_ =	swait.ge [sflag:s21], $0x1000  }
0x24: {  	[sflag:s21] =	ssyncset.done $0x0  }
0x25: {  	[sflag:s21] =	ssyncadd.s32 $0xFFFFF000  }
0x26: {  	[spmem:s9] =	stream.linear.scatter [tilespmem:s20], [sflag:$0x5], $0x1000, $0x38;
	[tilespmem:$0x16E00] =	vst v63  }
0x27: {  	_ =	swait.ge [sflag:s21], $0x1000  }
0x28: {  	[sflag:s21] =	ssyncset.done $0x0  }
0x29: {  	[sflag:s21] =	ssyncadd.s32 $0xFFFFF000  }
0x2a: {  	[spmem:s10] =	stream.linear.scatter [tilespmem:s20], [sflag:$0x5], $0x1000, $0x38;
	[tilespmem:$0x16E00] =	vst v63  }
0x2b: {  	_ =	swait.ge [sflag:s21], $0x1000  }
0x2c: {  	[sflag:s21] =	ssyncset.done $0x0  }
0x2d: {  	[sflag:s21] =	ssyncadd.s32 $0xFFFFF000  }
0x2e: {  	[spmem:s11] =	stream.linear.scatter [tilespmem:s20], [sflag:$0x5], $0x1000, $0x38;
	[tilespmem:$0x16E00] =	vst v63  }
0x2f: {  	_ =	swait.ge [sflag:s21], $0x1000  }
0x30: {  	[sflag:s21] =	ssyncset.done $0x0  }
0x31: {  	[sflag:s21] =	ssyncadd.s32 $0xFFFFF000  }
0x32: {  	[spmem:s12] =	stream.linear.scatter [tilespmem:s20], [sflag:$0x5], $0x1000, $0x38;
	[tilespmem:$0x16E00] =	vst v63  }
0x33: {  	_ =	swait.ge [sflag:s21], $0x1000  }
0x34: {  	[sflag:s21] =	ssyncset.done $0x0  }
0x35: {  	[sflag:s21] =	ssyncadd.s32 $0xFFFFF000  }
0x36: {  	[spmem:s13] =	stream.linear.scatter [tilespmem:s20], [sflag:$0x5], $0x1000, $0x38;
	[tilespmem:$0x16E00] =	vst v63  }
0x37: {  	_ =	swait.ge [sflag:s21], $0x1000  }
0x38: {  	[sflag:s21] =	ssyncset.done $0x0  }
0x39: {  	[sflag:s21] =	ssyncadd.s32 $0xFFFFF000  }
0x3a: {  	[spmem:s14] =	stream.linear.scatter [tilespmem:s20], [sflag:$0x5], $0x1000, $0x38;
	[tilespmem:$0x16E00] =	vst v63  }
0x3b: {  	_ =	swait.ge [sflag:s21], $0x1000  }
0x3c: {  	[sflag:s21] =	ssyncset.done $0x0  }
0x3d: {  	[sflag:s21] =	ssyncadd.s32 $0xFFFFF000  }
0x3e: {  	[spmem:s15] =	stream.linear.scatter [tilespmem:s20], [sflag:$0x5], $0x1000, $0x38;
	[tilespmem:$0x16E00] =	vst v63  }
0x3f: {  	_ =	swait.ge [sflag:s21], $0x1000  }
0x40: {  	[sflag:s21] =	ssyncset.done $0x0  }
0x41: {  	[sflag:s21] =	ssyncadd.s32 $0xFFFFF000  }
0x42: {  	[bflag:$0x0] =	sbarrier.arrive $0xFFFF  }
0x43: {  	[tilespmem:s3], [sflag:$0x5] =	stream.linear.gather [hbm4b:s16+s3], $0x4F00, $0x38;
	[tilespmem:$0x16E00] =	vst v63  }
0x44: {  	_ =	swait.ge [sflag:s21], $0x4F00  }
0x45: {  	[sflag:s21] =	ssyncset.done $0x0  }
0x46: {  	[sflag:s21] =	ssyncadd.s32 $0xFFFFB100  }
0x47: {  	[tilespmem:s22], [sflag:$0x5] =	stream.linear.gather [hbm4b:s17+s3], $0x4F00, $0x38;
	[tilespmem:$0x16E00] =	vst v63  }
0x48: {  	_ =	swait.ge [sflag:s21], $0x4F00  }
0x49: {  	[sflag:s21] =	ssyncset.done $0x0  }
0x4a: {  	[sflag:s21] =	ssyncadd.s32 $0xFFFFB100  }
0x4b: {  	[tilespmem:s24], [sflag:$0x1] =	stream.indirect.gather [hbm4b:s4+s23], $0x20, s3, s23, $0xb8;
	[tilespmem:$0x16E00] =	vst v63  }
0x4c: {  	_ = 	snop  }
0x4d: {  	[tilespmem:s25], [sflag:$0x2] =	stream.indirect.gather [hbm4b:s4+s23], $0x20, s23, s23, $0xb8;
	[tilespmem:$0x16E00] =	vst v63  }
0x4e: {  	_ =	swait.ge [sflag:s26], $0x1000  }
0x4f: {  	[sflag:s26] =	ssyncset.done $0x0  }
0x50: {  	[sflag:s26] =	ssyncadd.s32 $0xFFFFF000  }
0x51: {  	[spmem:s2] =	stream.indirect.scatter.add.bf16 [tilespmem:s24], [sflag:$0x3], $0x20, s22, s23, $0xb8;
	[tilespmem:$0x16E00] =	vst v63  }
0x52: {  	_ =	swait.ge [sflag:s28], $0x1000  }
0x53: {  	[sflag:s28] =	ssyncset.done $0x0  }
0x54: {  	s5 =	simm.s32 $0x100;
	[sflag:s28] =	ssyncadd.s32 $0xFFFFF000  }
0x55: {  	[tilespmem:s24], [sflag:$0x1] =	stream.indirect.gather [hbm4b:s4+s23], $0x20, s5, s23, $0xb8;
	[tilespmem:$0x16E00] =	vst v63  }
0x56: {  	_ =	swait.ge [sflag:s30], $0x1000  }
0x57: {  	[sflag:s30] =	ssyncset.done $0x0  }
0x58: {  	s5 =	simm.s32 $0x4F80;
	[sflag:s30] =	ssyncadd.s32 $0xFFFFF000  }
0x59: {  	[spmem:s2] =	stream.indirect.scatter.add.bf16 [tilespmem:s25], [sflag:$0x4], $0x20, s5, s23, $0xb8;
	[tilespmem:$0x16E00] =	vst v63  }
0x5a: {  	_ =	swait.ge [sflag:s0], $0x1000  }
0x5b: {  	[sflag:s0] =	ssyncset.done $0x0  }
0x5c: {  	s29 =	simm.s32 $0x180;
	[sflag:s0] =	ssyncadd.s32 $0xFFFFF000  }
0x5d: {  	[tilespmem:s25], [sflag:$0x2] =	stream.indirect.gather [hbm4b:s4+s23], $0x20, s29, s23, $0xb8;
	[tilespmem:$0x16E00] =	vst v63  }
0x5e: {  	_ =	swait.ge [sflag:s26], $0x1000  }
0x5f: {  	[sflag:s26] =	ssyncset.done $0x0  }
0x60: {  	s29 =	simm.s32 $0x5000;
	[sflag:s26] =	ssyncadd.s32 $0xFFFFF000  }
0x61: {  	[spmem:s2] =	stream.indirect.scatter.add.bf16 [tilespmem:s24], [sflag:$0x3], $0x20, s29, s23, $0xb8;
	[tilespmem:$0x16E00] =	vst v63  }
0x62: {  	_ =	swait.ge [sflag:s28], $0x1000  }
0x63: {  	[sflag:s28] =	ssyncset.done $0x0  }
0x64: {  	s29 =	simm.s32 $0x200;
	[sflag:s28] =	ssyncadd.s32 $0xFFFFF000  }
0x65: {  	[tilespmem:s24], [sflag:$0x1] =	stream.indirect.gather [hbm4b:s4+s23], $0x20, s29, s23, $0xb8;
	[tilespmem:$0x16E00] =	vst v63  }
0x66: {  	_ =	swait.ge [sflag:s30], $0x1000  }
0x67: {  	[sflag:s30] =	ssyncset.done $0x0  }
0x68: {  	s31 =	simm.s32 $0x5080;
	s29 =	simm.s32 $0xFFFED000;
	[sflag:s30] =	ssyncadd.s32 $0xFFFFF000  }
.LBB2_2:
0x69: {  	[spmem:s2] =	stream.indirect.scatter.add.bf16 [tilespmem:s25], [sflag:$0x4], $0x20, s31, s23, $0xb8;
	[tilespmem:$0x16E00] =	vst v63  }
0x6a: {  	s31 =	smov.u32 s29  }
0x6b: {  	p0 =	sne.s32 s29, $0xFFFFFC00;
	s29 =	sadd.s32 $0x400, s29;
	_ =	swait.ge [sflag:s0], $0x1000  }
0x6c: {  	s31 =	sshra.s32 s31, $0x2;
	[sflag:s0] =	ssyncset.done $0x0  }
0x6d: {  	s5 =	sadd.s32 $0x4E80, s31;
	[sflag:s0] =	ssyncadd.s32 $0xFFFFF000  }
0x6e: {  	[tilespmem:s25], [sflag:$0x2] =	stream.indirect.gather [hbm4b:s4+s23], $0x20, s5, s23, $0xb8;
	[tilespmem:$0x16E00] =	vst v63  }
0x6f: {  	_ =	swait.ge [sflag:s26], $0x1000  }
0x70: {  	[sflag:s26] =	ssyncset.done $0x0  }
0x71: {  	s5 =	sadd.s32 $0x9D00, s31;
	[sflag:s26] =	ssyncadd.s32 $0xFFFFF000  }
0x72: {  	[spmem:s2] =	stream.indirect.scatter.add.bf16 [tilespmem:s24], [sflag:$0x3], $0x20, s5, s23, $0xb8;
	[tilespmem:$0x16E00] =	vst v63  }
0x73: {  	_ =	swait.ge [sflag:s28], $0x1000  }
0x74: {  	[sflag:s28] =	ssyncset.done $0x0  }
.Ltmp0:
0x75: {  	s5 =	sadd.s32 $0x4F00, s31;
	[sflag:s28] =	ssyncadd.s32 $0xFFFFF000;
	(pc) =	sbr.rel @p0 .LBB2_2-.Ltmp0, $4  }
0x76: {  	[tilespmem:s24], [sflag:$0x1] =	stream.indirect.gather [hbm4b:s4+s23], $0x20, s5, s23, $0xb8;
	[tilespmem:$0x16E00] =	vst v63  }
0x77: {  	_ =	swait.ge [sflag:s30], $0x1000  }
0x78: {  	[sflag:s30] =	ssyncset.done $0x0  }
0x79: {  	s31 =	sadd.s32 $0x9D80, s31;
	[sflag:s30] =	ssyncadd.s32 $0xFFFFF000  }
0x7a: {  	[spmem:s2] =	stream.indirect.scatter.add.bf16 [tilespmem:s25], [sflag:$0x4], $0x20, s31, s23, $0xb8;
	[tilespmem:$0x16E00] =	vst v63  }
0x7b: {  	_ =	swait.ge [sflag:s0], $0x1000  }
0x7c: {  	[sflag:s0] =	ssyncset.done $0x0  }
0x7d: {  	s5 =	simm.s32 $0x4E80;
	[sflag:s0] =	ssyncadd.s32 $0xFFFFF000  }
0x7e: {  	[tilespmem:s25], [sflag:$0x2] =	stream.indirect.gather [hbm4b:s4+s23], $0x20, s5, s23, $0xb8;
	[tilespmem:$0x16E00] =	vst v63  }
0x7f: {  	_ =	swait.ge [sflag:s26], $0x1000  }
0x80: {  	[sflag:s26] =	ssyncset.done $0x0  }
0x81: {  	s31 =	simm.s32 $0x9D00;
	[sflag:s26] =	ssyncadd.s32 $0xFFFFF000  }
0x82: {  	[spmem:s2] =	stream.indirect.scatter.add.bf16 [tilespmem:s24], [sflag:$0x3], $0x20, s31, s23, $0xb8;
	[tilespmem:$0x16E00] =	vst v63  }
0x83: {  	_ =	swait.ge [sflag:s28], $0x1000  }
0x84: {  	[sflag:s28] =	ssyncset.done $0x0  }
0x85: {  	[sflag:s28] =	ssyncadd.s32 $0xFFFFF000  }
0x86: {  	_ =	swait.ge [sflag:s30], $0x1000  }
0x87: {  	[sflag:s30] =	ssyncset.done $0x0  }
0x88: {  	s29 =	simm.s32 $0x9D80;
	[sflag:s30] =	ssyncadd.s32 $0xFFFFF000  }
0x89: {  	[spmem:s2] =	stream.indirect.scatter.add.bf16 [tilespmem:s25], [sflag:$0x4], $0x20, s29, s23, $0xb8;
	[tilespmem:$0x16E00] =	vst v63  }
0x8a: {  	s31 =	stileid.u32;
	_ =	swait.ge [sflag:s0], $0x1000  }
0x8b: {  	s1 =	sadd.s32 $0x1, s1;
	s5 =	sshll.u32 s31, $0x6;
	[sflag:s0] =	ssyncset.done $0x0  }
0x8c: {  	p0 =	sne.s32 s1, s19;
	s5 =	sor.u32 $0x1C05, s5;
	[sflag:s0] =	ssyncadd.s32 $0xFFFFF000  }
.Ltmp1:
0x8d: {  	s29 =	sshrl.u32 s6, $0x3;
	[bflag:$0x0] =	sbarrier.arrive $0xFFFF;
	(pc) =	sbr.rel @p0 .LBB2_1-.Ltmp1, $4  }
0x8e: {  	[hbm:s18], [sflag:s5] =	dma.local [spmem:s29], $0x1400  }
0x8f: {  	_ =	swait.ge [sflag:s21], $0x1400  }
0x90: {  	[sflag:s21] =	ssyncset.done $0x0  }
0x91: {  	[sflag:s21] =	ssyncadd.s32 $0xFFFFEC00  }
0x92: {  	_ =	sfence.sel $0x180000  }
0x93: {  	[bflag:$0x0] =	sbarrier.arrive $0xFFFF  }
0x94: {  	_ =	strace $0x9000004A  }
0x95: {  	s0 =	stileid.u32;
	[bflag:$0x2] =	sbarrier.arrive $0xFFFF  }
0x96: {  	p0 =	sne.s32 s0, $0x0;
	s0 =	rddreg [dreg:$0x3]  }
0x97: {  	s0 =	sadd.s32 @!p0 $0x100000, s0  }
0x98: {  	[sflag:s0] =	ssyncadd.tile.s32 @!p0 $0x1;
	_ =	shalt  }
.Lfunc_end2:
_tile_overlayer_lowered:
.L_overlay_start_2:
0x99: {  	(tag) =	ssettag $0x2  }
0x9a: {  	s0 =	rddreg [dreg:$0x0];
	s2 =	stileid.u32  }
0x9b: {  	s1 =	rddreg [dreg:$0x1];
	p0 =	sne.s32 s2, $0x0  }
0x9c: {  	s3 =	rddreg [dreg:$0x2];
	[bflag:$0x3] =	sbarrier.arrive $0xFFFF;
	s2 =	simm.s32 @!p0 $0x1C05  }
0x9d: {  	[timem:s3], [sflag:s2] =	dma.local @!p0 [hbm:s0], s1  }
0x9e: {  	s0 =	simm.s32 @!p0 $0x5  }
0x9f: {  	_ =	swait.ge @!p0 [sflag:s0], s1  }
0xa0: {  	s1 =	ssub.s32 @!p0 $0x0, s1;
	[sflag:s0] =	ssyncset.done @!p0 $0x0  }
0xa1: {  	[sflag:s0] =	ssyncadd.s32 @!p0 s1  }
0xa2: {  	[bflag:$0x3] =	sbarrier.arrive $0xFFFF  }
0xa3: {  	_ =	shalt  }

</sc_bundles>
